<compile_context>
chip_gen: v7x
topology: tpu7x:2x2x1
jax: 0.10.2.dev20260603
libtpu: 0.0.44.dev20260713+nightly
codegen_flags: <defaults>
</compile_context>

<pallas_src>
import jax
import jax.numpy as jnp
from jax import lax
from jax.experimental import pallas as pl
from jax.experimental.pallas import tpu as pltpu
from jax.experimental.pallas import tpu_sc as plsc

_VOCAB = 1000000
_SEQ = 200
_DIM = 32
_BATCH = 4096

_NC = 2
_NS = 16
_NW = _NC * _NS
_BPW = _BATCH // _NW
_OSTRIDE = _BPW + 1
_PSTRIDE = _SEQ + 1


_TBLK = 4096
_NBLK = 62
_PACK = _TBLK * _NBLK


def _pack_body(x0, x1, x2, x3, o_ref):
    for a, x in enumerate((x0, x1, x2, x3)):
        o_ref[:, 32 * a:32 * (a + 1)] = x[...].T


def _gather_body(idx_t, word_hbm, pos_tt, out_t,
                 idx_v, pos_v, g0, g1, o0, o1, gsem0, gsem1, osem0, osem1):
    wid = lax.axis_index("s") * _NC + lax.axis_index("c")
    b0 = wid * _BPW
    grows = (g0, g1)
    oblk = (o0, o1)
    gsem = (gsem0, gsem1)
    osem = (osem0, osem1)

    pltpu.sync_copy(idx_t.at[:, pl.ds(b0, _BPW)], idx_v)
    pltpu.sync_copy(pos_tt, pos_v.at[:, pl.ds(0, _SEQ)])

    def translate_row(sr, carry):
        for u in range(_BPW // 16):
            vec = idx_v[sr, pl.ds(16 * u, 16)]
            a = (jnp.where(vec >= _PACK, 1, 0)
                 + jnp.where(vec >= 2 * _PACK, 1, 0)
                 + jnp.where(vec >= 3 * _PACK, 1, 0))
            idx_v[sr, pl.ds(16 * u, 16)] = 4 * vec - a * (4 * _PACK - 1)
        return carry

    lax.fori_loop(0, _SEQ, translate_row, 0, unroll=2)

    def g_copy(s, b):
        return pltpu.make_async_copy(
            word_hbm.at[idx_v.at[s]],
            grows[b],
            gsem[b],
        )

    def _o_copies(s, b):
        return [
            pltpu.make_async_copy(
                oblk[b].at[pl.ds(8 * cb, 8), pl.ds(0, _BPW)],
                out_t.at[s, cb, wid],
                osem[b],
            )
            for cb in range(4)
        ]

    class _OCopy:
        def __init__(self, s, b):
            self._c = _o_copies(s, b)

        def start(self):
            for c in self._c:
                c.start()

        def wait(self):
            for c in self._c:
                c.wait()

    def o_copy(s, b):
        return _OCopy(s, b)

    lanes = lax.iota(jnp.int32, 16)

    def compute(s, b):
        gb, ob = grows[b], oblk[b]
        ss = jnp.full((16,), s, jnp.int32)
        pcol = []
        for h in range(2):
            cc = lanes + (16 * h)
            pcol.append(plsc.load_gather(pos_v, [cc, ss]))
        def rbody(r):
            rr = jnp.full((16,), r, jnp.int32)
            for h in range(2):
                cc = lanes + (16 * h)
                vec = gb[r, pl.ds(16 * h, 16)]
                plsc.store_scatter(ob, [cc, rr], vec + pcol[h])

        plsc.parallel_loop(0, _BPW, 1, unroll=8)(rbody)

    g_copy(0, 0).start()

    def s_iter(t, carry):
        for b in range(2):
            s = t * 2 + b
            nb = 1 - b

            @pl.when(s + 1 < _SEQ)
            def _prefetch():
                @pl.when(s >= 1)
                def _drain():
                    o_copy(s - 1, nb).wait()

                g_copy(s + 1, nb).start()

            g_copy(s, b).wait()
            compute(s, b)
            o_copy(s, b).start()
        return carry

    lax.fori_loop(0, _SEQ // 2, s_iter, 0)

    o_copy(_SEQ - 2, 0).wait()
    o_copy(_SEQ - 1, 1).wait()


@jax.jit
def _embed(inputs, word_table, pos_table):
    mesh = plsc.VectorSubcoreMesh(core_axis_name="c", subcore_axis_name="s")
    idx_t = inputs.T
    pos_tt = pos_table.T

    wt = word_table.T
    word128 = pl.pallas_call(
        _pack_body,
        grid=(_NBLK,),
        in_specs=[
            pl.BlockSpec(
                (_DIM, _TBLK),
                lambda i, a=a: (0, jnp.minimum(i + a * _NBLK,
                                               _VOCAB // _TBLK)))
            for a in range(4)
        ],
        out_specs=pl.BlockSpec((_TBLK, 128), lambda i: (i, 0)),
        out_shape=jax.ShapeDtypeStruct((_PACK, 128), jnp.float32),
    )(wt, wt, wt, wt)
    word_lin = word128.reshape(4 * _PACK, _DIM)

    out_t = pl.kernel(
        _gather_body,
        out_type=jax.ShapeDtypeStruct((_SEQ, 4, _NW, 8, 128), jnp.float32),
        mesh=mesh,
        scratch_types=[
            pltpu.VMEM((_SEQ, _BPW), jnp.int32),
            pltpu.VMEM((_DIM, _PSTRIDE), jnp.float32),
            pltpu.VMEM((_BPW, _DIM), jnp.float32),
            pltpu.VMEM((_BPW, _DIM), jnp.float32),
            pltpu.VMEM((_DIM, _OSTRIDE), jnp.float32),
            pltpu.VMEM((_DIM, _OSTRIDE), jnp.float32),
            pltpu.SemaphoreType.DMA,
            pltpu.SemaphoreType.DMA,
            pltpu.SemaphoreType.DMA,
            pltpu.SemaphoreType.DMA,
        ],
        compiler_params=pltpu.CompilerParams(
            use_tc_tiling_on_sc=False, needs_layout_passes=False),
    )(idx_t, word_lin, pos_tt)

    return out_t.transpose(2, 4, 0, 1, 3).reshape(_BATCH, _SEQ, _DIM)


def kernel(inputs, word_table, pos_table):
    return _embed(inputs, word_table, pos_table)

# --- scband reference (transcript-rebuilt; emitter-appended) ---
"""Pipeline reference for scband-position-embedding-layer-45037027066290 (READ-ONLY COPY).

The authoritative reference and input builder live on the scoring server;
editing this copy changes nothing except your own understanding.
"""

import jax, jax.numpy as jnp
import numpy as np

VOCAB = 1000000
SEQ_LEN = 200
DIM = 32
BATCH = 4096


def setup_inputs(seed: int = 0) -> dict:
    key = jax.random.key(seed)
    k1, k2, k3 = jax.random.split(key, 3)
    inputs = jax.random.randint(k1, (BATCH, SEQ_LEN), 0, VOCAB, dtype=jnp.int64 if jax.config.jax_enable_x64 else jnp.int32).astype(jnp.int32)
    word_table = jax.random.normal(k2, (VOCAB, DIM), dtype=jnp.float32)
    pos_table = jax.random.normal(k3, (SEQ_LEN, DIM), dtype=jnp.float32)
    return {"inputs": inputs, "word_table": word_table, "pos_table": pos_table}


def reference(inputs, word_table, pos_table):
    # PositionEmbeddingLayer.call:
    #   position_indices = tf.range(tf.shape(inputs)[-1])
    #   embedded_words = word_embedding(inputs)
    #   embedded_indices = position_embedding(position_indices)
    #   return embedded_words + embedded_indices
    position_indices = jnp.arange(inputs.shape[-1])
    embedded_words = jnp.take(word_table, inputs, axis=0)
    embedded_indices = jnp.take(pos_table, position_indices, axis=0)
    return embedded_words + embedded_indices

if __name__ == "__main__":
    import jax
    _d = setup_inputs()
    print(jax.jit(kernel)(*tuple(_d.values())))

</pallas_src>

<mosaic_0001>
#map = affine_map<(d0, d1) -> (0, 0)>
#map1 = affine_map<(d0, d1) -> (0, 0, 0, 0, 0)>
module attributes {stable_mosaic.version = 14 : i64} {
  func.func @_gather_body(%arg0: i32, %arg1: i32, %arg2: memref<200x4096xi32, #tpu.memory_space<hbm>>, %arg3: memref<1015808x32xf32, #tpu.memory_space<hbm>>, %arg4: memref<32x200xf32, #tpu.memory_space<hbm>>, %arg5: memref<200x4x32x8x128xf32, #tpu.memory_space<hbm>>, %arg6: memref<200x128xi32, #tpu.memory_space<vmem>>, %arg7: memref<32x201xf32, #tpu.memory_space<vmem>>, %arg8: memref<128x32xf32, #tpu.memory_space<vmem>>, %arg9: memref<128x32xf32, #tpu.memory_space<vmem>>, %arg10: memref<32x129xf32, #tpu.memory_space<vmem>>, %arg11: memref<32x129xf32, #tpu.memory_space<vmem>>, %arg12: memref<!tpu.dma_semaphore, #tpu.memory_space<semaphore_mem>>, %arg13: memref<!tpu.dma_semaphore, #tpu.memory_space<semaphore_mem>>, %arg14: memref<!tpu.dma_semaphore, #tpu.memory_space<semaphore_mem>>, %arg15: memref<!tpu.dma_semaphore, #tpu.memory_space<semaphore_mem>>) attributes {dimension_semantics = [#tpu.dimension_semantics<core_parallel>, #tpu.dimension_semantics<subcore_parallel>], iteration_bounds = array<i64: 2, 16>, scalar_prefetch = 0 : i64, scratch_operands = 10 : i64, tpu.core_type = #tpu.core_type<sc_vector_subcore>, window_params = [{transform_indices = #map}, {transform_indices = #map}, {transform_indices = #map}, {transform_indices = #map1}]} {
    %mul3A = arith.constant 2 : i32
    %mul3A_0 = arith.muli %arg1, %mul3A : i32
    %add3A = arith.addi %mul3A_0, %arg0 : i32
    %mul3A_1 = arith.constant 128 : i32
    %mul3A_2 = arith.muli %add3A, %mul3A_1 : i32
    "tpu.region"() ({
      %run_scoped3A = tpu.sem_alloc : memref<!tpu.dma_semaphore, #tpu.memory_space<semaphore_mem>>
      %dma_start3A_147 = arith.constant 0 : i32
      %dma_start3A_148 = tpu.memref_slice %arg2[%dma_start3A_147, %mul3A_2] : memref<200x4096xi32, #tpu.memory_space<hbm>> -> memref<200x128xi32, #tpu.memory_space<hbm>>
      %dma_start3A_149 = arith.constant 0 : i32
      %dma_start3A_150 = tpu.memref_slice %arg2[%dma_start3A_149, %mul3A_2] : memref<200x4096xi32, #tpu.memory_space<hbm>> -> memref<200x128xi32, #tpu.memory_space<hbm>>
      tpu.enqueue_dma source(%dma_start3A_150 : memref<200x128xi32, #tpu.memory_space<hbm>>) target(%arg6 : memref<200x128xi32, #tpu.memory_space<vmem>>) target_semaphore(%run_scoped3A : memref<!tpu.dma_semaphore, #tpu.memory_space<semaphore_mem>>)
      %dma_wait3A_151 = arith.constant 0 : i32
      %dma_wait3A_152 = tpu.memref_slice %arg2[%dma_wait3A_151, %mul3A_2] : memref<200x4096xi32, #tpu.memory_space<hbm>> -> memref<200x128xi32, #tpu.memory_space<hbm>>
      %dma_wait3A_153 = arith.constant 0 : i32
      %dma_wait3A_154 = tpu.memref_slice %arg2[%dma_wait3A_153, %mul3A_2] : memref<200x4096xi32, #tpu.memory_space<hbm>> -> memref<200x128xi32, #tpu.memory_space<hbm>>
      tpu.wait_dma2 semaphore(%run_scoped3A : memref<!tpu.dma_semaphore, #tpu.memory_space<semaphore_mem>>) src(%dma_wait3A_154 : memref<200x128xi32, #tpu.memory_space<hbm>>) dst(%arg6 : memref<200x128xi32, #tpu.memory_space<vmem>>)
      tpu.yield
    }) : () -> ()
    "tpu.region"() ({
      %run_scoped3A = tpu.sem_alloc : memref<!tpu.dma_semaphore, #tpu.memory_space<semaphore_mem>>
      %dma_start3A_147 = arith.constant 0 : i32
      %dma_start3A_148 = arith.constant 0 : i32
      %dma_start3A_149 = tpu.memref_slice %arg7[%dma_start3A_147, %dma_start3A_148] : memref<32x201xf32, #tpu.memory_space<vmem>> -> memref<32x200xf32, #tpu.memory_space<vmem>>
      %dma_start3A_150 = arith.constant 0 : i32
      %dma_start3A_151 = arith.constant 0 : i32
      %dma_start3A_152 = tpu.memref_slice %arg7[%dma_start3A_150, %dma_start3A_151] : memref<32x201xf32, #tpu.memory_space<vmem>> -> memref<32x200xf32, #tpu.memory_space<vmem>>
      tpu.enqueue_dma source(%arg4 : memref<32x200xf32, #tpu.memory_space<hbm>>) target(%dma_start3A_152 : memref<32x200xf32, #tpu.memory_space<vmem>>) target_semaphore(%run_scoped3A : memref<!tpu.dma_semaphore, #tpu.memory_space<semaphore_mem>>)
      %dma_wait3A_153 = arith.constant 0 : i32
      %dma_wait3A_154 = arith.constant 0 : i32
      %dma_wait3A_155 = tpu.memref_slice %arg7[%dma_wait3A_153, %dma_wait3A_154] : memref<32x201xf32, #tpu.memory_space<vmem>> -> memref<32x200xf32, #tpu.memory_space<vmem>>
      %dma_wait3A_156 = arith.constant 0 : i32
      %dma_wait3A_157 = arith.constant 0 : i32
      %dma_wait3A_158 = tpu.memref_slice %arg7[%dma_wait3A_156, %dma_wait3A_157] : memref<32x201xf32, #tpu.memory_space<vmem>> -> memref<32x200xf32, #tpu.memory_space<vmem>>
      tpu.wait_dma2 semaphore(%run_scoped3A : memref<!tpu.dma_semaphore, #tpu.memory_space<semaphore_mem>>) src(%arg4 : memref<32x200xf32, #tpu.memory_space<hbm>>) dst(%dma_wait3A_158 : memref<32x200xf32, #tpu.memory_space<vmem>>)
      tpu.yield
    }) : () -> ()
    %scan3A = arith.constant 0 : i32
    %scan3A_3 = arith.constant 0 : i32
    %scan3A_4 = arith.constant 200 : i32
    %scan3A_5 = arith.addi %scan3A_3, %scan3A_4 : i32
    %scan3A_6 = arith.constant 2 : i32
    scf.for %scan3A_147 = %scan3A_3 to %scan3A_5 step %scan3A_6  : i32 {
      %get3A = arith.index_cast %scan3A_147 : i32 to index
      %get3A_148 = arith.constant 0 : index
      %get3A_149 = tpu.vector_load %arg6[%get3A, %get3A_148] {strides = array<i32>} : memref<200x128xi32, #tpu.memory_space<vmem>>, vector<16xi32>,
      %ge3A = arith.constant 253952 : i32
      %ge3A_150 = vector.broadcast %ge3A : i32 to vector<16xi32>
      %ge3A_151 = arith.cmpi sge, %get3A_149, %ge3A_150 : vector<16xi32>
      %jit3A = arith.constant 1 : i32
      %jit3A_152 = arith.constant 0 : i32
      %broadcast_in_dim3A = vector.broadcast %jit3A : i32 to vector<16xi32>
      %broadcast_in_dim3A_153 = vector.broadcast %jit3A_152 : i32 to vector<16xi32>
      %select_n3A = arith.select %ge3A_151, %broadcast_in_dim3A, %broadcast_in_dim3A_153 : vector<16xi1>, vector<16xi32>
      %ge3A_154 = arith.constant 507904 : i32
      %ge3A_155 = vector.broadcast %ge3A_154 : i32 to vector<16xi32>
      %ge3A_156 = arith.cmpi sge, %get3A_149, %ge3A_155 : vector<16xi32>
      %jit3A_157 = arith.constant 1 : i32
      %jit3A_158 = arith.constant 0 : i32
      %broadcast_in_dim3A_159 = vector.broadcast %jit3A_157 : i32 to vector<16xi32>
      %broadcast_in_dim3A_160 = vector.broadcast %jit3A_158 : i32 to vector<16xi32>
      %select_n3A_161 = arith.select %ge3A_156, %broadcast_in_dim3A_159, %broadcast_in_dim3A_160 : vector<16xi1>, vector<16xi32>
      %add3A_162 = arith.addi %select_n3A, %select_n3A_161 : vector<16xi32>
      %ge3A_163 = arith.constant 761856 : i32
      %ge3A_164 = vector.broadcast %ge3A_163 : i32 to vector<16xi32>
      %ge3A_165 = arith.cmpi sge, %get3A_149, %ge3A_164 : vector<16xi32>
      %jit3A_166 = arith.constant 1 : i32
      %jit3A_167 = arith.constant 0 : i32
      %broadcast_in_dim3A_168 = vector.broadcast %jit3A_166 : i32 to vector<16xi32>
      %broadcast_in_dim3A_169 = vector.broadcast %jit3A_167 : i32 to vector<16xi32>
      %select_n3A_170 = arith.select %ge3A_165, %broadcast_in_dim3A_168, %broadcast_in_dim3A_169 : vector<16xi1>, vector<16xi32>
      %add3A_171 = arith.addi %add3A_162, %select_n3A_170 : vector<16xi32>
      %mul3A_172 = arith.constant 4 : i32
      %mul3A_173 = vector.broadcast %mul3A_172 : i32 to vector<16xi32>
      %mul3A_174 = arith.muli %mul3A_173, %get3A_149 : vector<16xi32>
      %mul3A_175 = arith.constant 1015807 : i32
      %mul3A_176 = vector.broadcast %mul3A_175 : i32 to vector<16xi32>
      %mul3A_177 = arith.muli %add3A_171, %mul3A_176 : vector<16xi32>
      %sub3A = arith.subi %mul3A_174, %mul3A_177 : vector<16xi32>
      %swap3A = arith.index_cast %scan3A_147 : i32 to index
      %swap3A_178 = arith.constant 0 : index
      %swap3A_179 = tpu.vector_load %arg6[%swap3A, %swap3A_178] {strides = array<i32>} : memref<200x128xi32, #tpu.memory_space<vmem>>, vector<16xi32>,
      tpu.vector_store %arg6[%swap3A, %swap3A_178], %sub3A {strides = array<i32>} : memref<200x128xi32, #tpu.memory_space<vmem>>, vector<16xi32>,
      %get3A_180 = arith.index_cast %scan3A_147 : i32 to index
      %get3A_181 = arith.constant 16 : index
      %get3A_182 = tpu.vector_load %arg6[%get3A_180, %get3A_181] {strides = array<i32>} : memref<200x128xi32, #tpu.memory_space<vmem>>, vector<16xi32>,
      %ge3A_183 = arith.constant 253952 : i32
      %ge3A_184 = vector.broadcast %ge3A_183 : i32 to vector<16xi32>
      %ge3A_185 = arith.cmpi sge, %get3A_182, %ge3A_184 : vector<16xi32>
      %jit3A_186 = arith.constant 1 : i32
      %jit3A_187 = arith.constant 0 : i32
      %broadcast_in_dim3A_188 = vector.broadcast %jit3A_186 : i32 to vector<16xi32>
      %broadcast_in_dim3A_189 = vector.broadcast %jit3A_187 : i32 to vector<16xi32>
      %select_n3A_190 = arith.select %ge3A_185, %broadcast_in_dim3A_188, %broadcast_in_dim3A_189 : vector<16xi1>, vector<16xi32>
      %ge3A_191 = arith.constant 507904 : i32
      %ge3A_192 = vector.broadcast %ge3A_191 : i32 to vector<16xi32>
      %ge3A_193 = arith.cmpi sge, %get3A_182, %ge3A_192 : vector<16xi32>
      %jit3A_194 = arith.constant 1 : i32
      %jit3A_195 = arith.constant 0 : i32
      %broadcast_in_dim3A_196 = vector.broadcast %jit3A_194 : i32 to vector<16xi32>
      %broadcast_in_dim3A_197 = vector.broadcast %jit3A_195 : i32 to vector<16xi32>
      %select_n3A_198 = arith.select %ge3A_193, %broadcast_in_dim3A_196, %broadcast_in_dim3A_197 : vector<16xi1>, vector<16xi32>
      %add3A_199 = arith.addi %select_n3A_190, %select_n3A_198 : vector<16xi32>
      %ge3A_200 = arith.constant 761856 : i32
      %ge3A_201 = vector.broadcast %ge3A_200 : i32 to vector<16xi32>
      %ge3A_202 = arith.cmpi sge, %get3A_182, %ge3A_201 : vector<16xi32>
      %jit3A_203 = arith.constant 1 : i32
      %jit3A_204 = arith.constant 0 : i32
      %broadcast_in_dim3A_205 = vector.broadcast %jit3A_203 : i32 to vector<16xi32>
      %broadcast_in_dim3A_206 = vector.broadcast %jit3A_204 : i32 to vector<16xi32>
      %select_n3A_207 = arith.select %ge3A_202, %broadcast_in_dim3A_205, %broadcast_in_dim3A_206 : vector<16xi1>, vector<16xi32>
      %add3A_208 = arith.addi %add3A_199, %select_n3A_207 : vector<16xi32>
      %mul3A_209 = arith.constant 4 : i32
      %mul3A_210 = vector.broadcast %mul3A_209 : i32 to vector<16xi32>
      %mul3A_211 = arith.muli %mul3A_210, %get3A_182 : vector<16xi32>
      %mul3A_212 = arith.constant 1015807 : i32
      %mul3A_213 = vector.broadcast %mul3A_212 : i32 to vector<16xi32>
      %mul3A_214 = arith.muli %add3A_208, %mul3A_213 : vector<16xi32>
      %sub3A_215 = arith.subi %mul3A_211, %mul3A_214 : vector<16xi32>
      %swap3A_216 = arith.index_cast %scan3A_147 : i32 to index
      %swap3A_217 = arith.constant 16 : index
      %swap3A_218 = tpu.vector_load %arg6[%swap3A_216, %swap3A_217] {strides = array<i32>} : memref<200x128xi32, #tpu.memory_space<vmem>>, vector<16xi32>,
      tpu.vector_store %arg6[%swap3A_216, %swap3A_217], %sub3A_215 {strides = array<i32>} : memref<200x128xi32, #tpu.memory_space<vmem>>, vector<16xi32>,
      %get3A_219 = arith.index_cast %scan3A_147 : i32 to index
      %get3A_220 = arith.constant 32 : index
      %get3A_221 = tpu.vector_load %arg6[%get3A_219, %get3A_220] {strides = array<i32>} : memref<200x128xi32, #tpu.memory_space<vmem>>, vector<16xi32>,
      %ge3A_222 = arith.constant 253952 : i32
      %ge3A_223 = vector.broadcast %ge3A_222 : i32 to vector<16xi32>
      %ge3A_224 = arith.cmpi sge, %get3A_221, %ge3A_223 : vector<16xi32>
      %jit3A_225 = arith.constant 1 : i32
      %jit3A_226 = arith.constant 0 : i32
      %broadcast_in_dim3A_227 = vector.broadcast %jit3A_225 : i32 to vector<16xi32>
      %broadcast_in_dim3A_228 = vector.broadcast %jit3A_226 : i32 to vector<16xi32>
      %select_n3A_229 = arith.select %ge3A_224, %broadcast_in_dim3A_227, %broadcast_in_dim3A_228 : vector<16xi1>, vector<16xi32>
      %ge3A_230 = arith.constant 507904 : i32
      %ge3A_231 = vector.broadcast %ge3A_230 : i32 to vector<16xi32>
      %ge3A_232 = arith.cmpi sge, %get3A_221, %ge3A_231 : vector<16xi32>
      %jit3A_233 = arith.constant 1 : i32
      %jit3A_234 = arith.constant 0 : i32
      %broadcast_in_dim3A_235 = vector.broadcast %jit3A_233 : i32 to vector<16xi32>
      %broadcast_in_dim3A_236 = vector.broadcast %jit3A_234 : i32 to vector<16xi32>
      %select_n3A_237 = arith.select %ge3A_232, %broadcast_in_dim3A_235, %broadcast_in_dim3A_236 : vector<16xi1>, vector<16xi32>
      %add3A_238 = arith.addi %select_n3A_229, %select_n3A_237 : vector<16xi32>
      %ge3A_239 = arith.constant 761856 : i32
      %ge3A_240 = vector.broadcast %ge3A_239 : i32 to vector<16xi32>
      %ge3A_241 = arith.cmpi sge, %get3A_221, %ge3A_240 : vector<16xi32>
      %jit3A_242 = arith.constant 1 : i32
      %jit3A_243 = arith.constant 0 : i32
      %broadcast_in_dim3A_244 = vector.broadcast %jit3A_242 : i32 to vector<16xi32>
      %broadcast_in_dim3A_245 = vector.broadcast %jit3A_243 : i32 to vector<16xi32>
      %select_n3A_246 = arith.select %ge3A_241, %broadcast_in_dim3A_244, %broadcast_in_dim3A_245 : vector<16xi1>, vector<16xi32>
      %add3A_247 = arith.addi %add3A_238, %select_n3A_246 : vector<16xi32>
      %mul3A_248 = arith.constant 4 : i32
      %mul3A_249 = vector.broadcast %mul3A_248 : i32 to vector<16xi32>
      %mul3A_250 = arith.muli %mul3A_249, %get3A_221 : vector<16xi32>
      %mul3A_251 = arith.constant 1015807 : i32
      %mul3A_252 = vector.broadcast %mul3A_251 : i32 to vector<16xi32>
      %mul3A_253 = arith.muli %add3A_247, %mul3A_252 : vector<16xi32>
      %sub3A_254 = arith.subi %mul3A_250, %mul3A_253 : vector<16xi32>
      %swap3A_255 = arith.index_cast %scan3A_147 : i32 to index
      %swap3A_256 = arith.constant 32 : index
      %swap3A_257 = tpu.vector_load %arg6[%swap3A_255, %swap3A_256] {strides = array<i32>} : memref<200x128xi32, #tpu.memory_space<vmem>>, vector<16xi32>,
      tpu.vector_store %arg6[%swap3A_255, %swap3A_256], %sub3A_254 {strides = array<i32>} : memref<200x128xi32, #tpu.memory_space<vmem>>, vector<16xi32>,
      %get3A_258 = arith.index_cast %scan3A_147 : i32 to index
      %get3A_259 = arith.constant 48 : index
      %get3A_260 = tpu.vector_load %arg6[%get3A_258, %get3A_259] {strides = array<i32>} : memref<200x128xi32, #tpu.memory_space<vmem>>, vector<16xi32>,
      %ge3A_261 = arith.constant 253952 : i32
      %ge3A_262 = vector.broadcast %ge3A_261 : i32 to vector<16xi32>
      %ge3A_263 = arith.cmpi sge, %get3A_260, %ge3A_262 : vector<16xi32>
      %jit3A_264 = arith.constant 1 : i32
      %jit3A_265 = arith.constant 0 : i32
      %broadcast_in_dim3A_266 = vector.broadcast %jit3A_264 : i32 to vector<16xi32>
      %broadcast_in_dim3A_267 = vector.broadcast %jit3A_265 : i32 to vector<16xi32>
      %select_n3A_268 = arith.select %ge3A_263, %broadcast_in_dim3A_266, %broadcast_in_dim3A_267 : vector<16xi1>, vector<16xi32>
      %ge3A_269 = arith.constant 507904 : i32
      %ge3A_270 = vector.broadcast %ge3A_269 : i32 to vector<16xi32>
      %ge3A_271 = arith.cmpi sge, %get3A_260, %ge3A_270 : vector<16xi32>
      %jit3A_272 = arith.constant 1 : i32
      %jit3A_273 = arith.constant 0 : i32
      %broadcast_in_dim3A_274 = vector.broadcast %jit3A_272 : i32 to vector<16xi32>
      %broadcast_in_dim3A_275 = vector.broadcast %jit3A_273 : i32 to vector<16xi32>
      %select_n3A_276 = arith.select %ge3A_271, %broadcast_in_dim3A_274, %broadcast_in_dim3A_275 : vector<16xi1>, vector<16xi32>
      %add3A_277 = arith.addi %select_n3A_268, %select_n3A_276 : vector<16xi32>
      %ge3A_278 = arith.constant 761856 : i32
      %ge3A_279 = vector.broadcast %ge3A_278 : i32 to vector<16xi32>
      %ge3A_280 = arith.cmpi sge, %get3A_260, %ge3A_279 : vector<16xi32>
      %jit3A_281 = arith.constant 1 : i32
      %jit3A_282 = arith.constant 0 : i32
      %broadcast_in_dim3A_283 = vector.broadcast %jit3A_281 : i32 to vector<16xi32>
      %broadcast_in_dim3A_284 = vector.broadcast %jit3A_282 : i32 to vector<16xi32>
      %select_n3A_285 = arith.select %ge3A_280, %broadcast_in_dim3A_283, %broadcast_in_dim3A_284 : vector<16xi1>, vector<16xi32>
      %add3A_286 = arith.addi %add3A_277, %select_n3A_285 : vector<16xi32>
      %mul3A_287 = arith.constant 4 : i32
      %mul3A_288 = vector.broadcast %mul3A_287 : i32 to vector<16xi32>
      %mul3A_289 = arith.muli %mul3A_288, %get3A_260 : vector<16xi32>
      %mul3A_290 = arith.constant 1015807 : i32
      %mul3A_291 = vector.broadcast %mul3A_290 : i32 to vector<16xi32>
      %mul3A_292 = arith.muli %add3A_286, %mul3A_291 : vector<16xi32>
      %sub3A_293 = arith.subi %mul3A_289, %mul3A_292 : vector<16xi32>
      %swap3A_294 = arith.index_cast %scan3A_147 : i32 to index
      %swap3A_295 = arith.constant 48 : index
      %swap3A_296 = tpu.vector_load %arg6[%swap3A_294, %swap3A_295] {strides = array<i32>} : memref<200x128xi32, #tpu.memory_space<vmem>>, vector<16xi32>,
      tpu.vector_store %arg6[%swap3A_294, %swap3A_295], %sub3A_293 {strides = array<i32>} : memref<200x128xi32, #tpu.memory_space<vmem>>, vector<16xi32>,
      %get3A_297 = arith.index_cast %scan3A_147 : i32 to index
      %get3A_298 = arith.constant 64 : index
      %get3A_299 = tpu.vector_load %arg6[%get3A_297, %get3A_298] {strides = array<i32>} : memref<200x128xi32, #tpu.memory_space<vmem>>, vector<16xi32>,
      %ge3A_300 = arith.constant 253952 : i32
      %ge3A_301 = vector.broadcast %ge3A_300 : i32 to vector<16xi32>
      %ge3A_302 = arith.cmpi sge, %get3A_299, %ge3A_301 : vector<16xi32>
      %jit3A_303 = arith.constant 1 : i32
      %jit3A_304 = arith.constant 0 : i32
      %broadcast_in_dim3A_305 = vector.broadcast %jit3A_303 : i32 to vector<16xi32>
      %broadcast_in_dim3A_306 = vector.broadcast %jit3A_304 : i32 to vector<16xi32>
      %select_n3A_307 = arith.select %ge3A_302, %broadcast_in_dim3A_305, %broadcast_in_dim3A_306 : vector<16xi1>, vector<16xi32>
      %ge3A_308 = arith.constant 507904 : i32
      %ge3A_309 = vector.broadcast %ge3A_308 : i32 to vector<16xi32>
      %ge3A_310 = arith.cmpi sge, %get3A_299, %ge3A_309 : vector<16xi32>
      %jit3A_311 = arith.constant 1 : i32
      %jit3A_312 = arith.constant 0 : i32
      %broadcast_in_dim3A_313 = vector.broadcast %jit3A_311 : i32 to vector<16xi32>
      %broadcast_in_dim3A_314 = vector.broadcast %jit3A_312 : i32 to vector<16xi32>
      %select_n3A_315 = arith.select %ge3A_310, %broadcast_in_dim3A_313, %broadcast_in_dim3A_314 : vector<16xi1>, vector<16xi32>
      %add3A_316 = arith.addi %select_n3A_307, %select_n3A_315 : vector<16xi32>
      %ge3A_317 = arith.constant 761856 : i32
      %ge3A_318 = vector.broadcast %ge3A_317 : i32 to vector<16xi32>
      %ge3A_319 = arith.cmpi sge, %get3A_299, %ge3A_318 : vector<16xi32>
      %jit3A_320 = arith.constant 1 : i32
      %jit3A_321 = arith.constant 0 : i32
      %broadcast_in_dim3A_322 = vector.broadcast %jit3A_320 : i32 to vector<16xi32>
      %broadcast_in_dim3A_323 = vector.broadcast %jit3A_321 : i32 to vector<16xi32>
      %select_n3A_324 = arith.select %ge3A_319, %broadcast_in_dim3A_322, %broadcast_in_dim3A_323 : vector<16xi1>, vector<16xi32>
      %add3A_325 = arith.addi %add3A_316, %select_n3A_324 : vector<16xi32>
      %mul3A_326 = arith.constant 4 : i32
      %mul3A_327 = vector.broadcast %mul3A_326 : i32 to vector<16xi32>
      %mul3A_328 = arith.muli %mul3A_327, %get3A_299 : vector<16xi32>
      %mul3A_329 = arith.constant 1015807 : i32
      %mul3A_330 = vector.broadcast %mul3A_329 : i32 to vector<16xi32>
      %mul3A_331 = arith.muli %add3A_325, %mul3A_330 : vector<16xi32>
      %sub3A_332 = arith.subi %mul3A_328, %mul3A_331 : vector<16xi32>
      %swap3A_333 = arith.index_cast %scan3A_147 : i32 to index
      %swap3A_334 = arith.constant 64 : index
      %swap3A_335 = tpu.vector_load %arg6[%swap3A_333, %swap3A_334] {strides = array<i32>} : memref<200x128xi32, #tpu.memory_space<vmem>>, vector<16xi32>,
      tpu.vector_store %arg6[%swap3A_333, %swap3A_334], %sub3A_332 {strides = array<i32>} : memref<200x128xi32, #tpu.memory_space<vmem>>, vector<16xi32>,
      %get3A_336 = arith.index_cast %scan3A_147 : i32 to index
      %get3A_337 = arith.constant 80 : index
      %get3A_338 = tpu.vector_load %arg6[%get3A_336, %get3A_337] {strides = array<i32>} : memref<200x128xi32, #tpu.memory_space<vmem>>, vector<16xi32>,
      %ge3A_339 = arith.constant 253952 : i32
      %ge3A_340 = vector.broadcast %ge3A_339 : i32 to vector<16xi32>
      %ge3A_341 = arith.cmpi sge, %get3A_338, %ge3A_340 : vector<16xi32>
      %jit3A_342 = arith.constant 1 : i32
      %jit3A_343 = arith.constant 0 : i32
      %broadcast_in_dim3A_344 = vector.broadcast %jit3A_342 : i32 to vector<16xi32>
      %broadcast_in_dim3A_345 = vector.broadcast %jit3A_343 : i32 to vector<16xi32>
      %select_n3A_346 = arith.select %ge3A_341, %broadcast_in_dim3A_344, %broadcast_in_dim3A_345 : vector<16xi1>, vector<16xi32>
      %ge3A_347 = arith.constant 507904 : i32
      %ge3A_348 = vector.broadcast %ge3A_347 : i32 to vector<16xi32>
      %ge3A_349 = arith.cmpi sge, %get3A_338, %ge3A_348 : vector<16xi32>
      %jit3A_350 = arith.constant 1 : i32
      %jit3A_351 = arith.constant 0 : i32
      %broadcast_in_dim3A_352 = vector.broadcast %jit3A_350 : i32 to vector<16xi32>
      %broadcast_in_dim3A_353 = vector.broadcast %jit3A_351 : i32 to vector<16xi32>
      %select_n3A_354 = arith.select %ge3A_349, %broadcast_in_dim3A_352, %broadcast_in_dim3A_353 : vector<16xi1>, vector<16xi32>
      %add3A_355 = arith.addi %select_n3A_346, %select_n3A_354 : vector<16xi32>
      %ge3A_356 = arith.constant 761856 : i32
      %ge3A_357 = vector.broadcast %ge3A_356 : i32 to vector<16xi32>
      %ge3A_358 = arith.cmpi sge, %get3A_338, %ge3A_357 : vector<16xi32>
      %jit3A_359 = arith.constant 1 : i32
      %jit3A_360 = arith.constant 0 : i32
      %broadcast_in_dim3A_361 = vector.broadcast %jit3A_359 : i32 to vector<16xi32>
      %broadcast_in_dim3A_362 = vector.broadcast %jit3A_360 : i32 to vector<16xi32>
      %select_n3A_363 = arith.select %ge3A_358, %broadcast_in_dim3A_361, %broadcast_in_dim3A_362 : vector<16xi1>, vector<16xi32>
      %add3A_364 = arith.addi %add3A_355, %select_n3A_363 : vector<16xi32>
      %mul3A_365 = arith.constant 4 : i32
      %mul3A_366 = vector.broadcast %mul3A_365 : i32 to vector<16xi32>
      %mul3A_367 = arith.muli %mul3A_366, %get3A_338 : vector<16xi32>
      %mul3A_368 = arith.constant 1015807 : i32
      %mul3A_369 = vector.broadcast %mul3A_368 : i32 to vector<16xi32>
      %mul3A_370 = arith.muli %add3A_364, %mul3A_369 : vector<16xi32>
      %sub3A_371 = arith.subi %mul3A_367, %mul3A_370 : vector<16xi32>
      %swap3A_372 = arith.index_cast %scan3A_147 : i32 to index
      %swap3A_373 = arith.constant 80 : index
      %swap3A_374 = tpu.vector_load %arg6[%swap3A_372, %swap3A_373] {strides = array<i32>} : memref<200x128xi32, #tpu.memory_space<vmem>>, vector<16xi32>,
      tpu.vector_store %arg6[%swap3A_372, %swap3A_373], %sub3A_371 {strides = array<i32>} : memref<200x128xi32, #tpu.memory_space<vmem>>, vector<16xi32>,
      %get3A_375 = arith.index_cast %scan3A_147 : i32 to index
      %get3A_376 = arith.constant 96 : index
      %get3A_377 = tpu.vector_load %arg6[%get3A_375, %get3A_376] {strides = array<i32>} : memref<200x128xi32, #tpu.memory_space<vmem>>, vector<16xi32>,
      %ge3A_378 = arith.constant 253952 : i32
      %ge3A_379 = vector.broadcast %ge3A_378 : i32 to vector<16xi32>
      %ge3A_380 = arith.cmpi sge, %get3A_377, %ge3A_379 : vector<16xi32>
      %jit3A_381 = arith.constant 1 : i32
      %jit3A_382 = arith.constant 0 : i32
      %broadcast_in_dim3A_383 = vector.broadcast %jit3A_381 : i32 to vector<16xi32>
      %broadcast_in_dim3A_384 = vector.broadcast %jit3A_382 : i32 to vector<16xi32>
      %select_n3A_385 = arith.select %ge3A_380, %broadcast_in_dim3A_383, %broadcast_in_dim3A_384 : vector<16xi1>, vector<16xi32>
      %ge3A_386 = arith.constant 507904 : i32
      %ge3A_387 = vector.broadcast %ge3A_386 : i32 to vector<16xi32>
      %ge3A_388 = arith.cmpi sge, %get3A_377, %ge3A_387 : vector<16xi32>
      %jit3A_389 = arith.constant 1 : i32
      %jit3A_390 = arith.constant 0 : i32
      %broadcast_in_dim3A_391 = vector.broadcast %jit3A_389 : i32 to vector<16xi32>
      %broadcast_in_dim3A_392 = vector.broadcast %jit3A_390 : i32 to vector<16xi32>
      %select_n3A_393 = arith.select %ge3A_388, %broadcast_in_dim3A_391, %broadcast_in_dim3A_392 : vector<16xi1>, vector<16xi32>
      %add3A_394 = arith.addi %select_n3A_385, %select_n3A_393 : vector<16xi32>
      %ge3A_395 = arith.constant 761856 : i32
      %ge3A_396 = vector.broadcast %ge3A_395 : i32 to vector<16xi32>
      %ge3A_397 = arith.cmpi sge, %get3A_377, %ge3A_396 : vector<16xi32>
      %jit3A_398 = arith.constant 1 : i32
      %jit3A_399 = arith.constant 0 : i32
      %broadcast_in_dim3A_400 = vector.broadcast %jit3A_398 : i32 to vector<16xi32>
      %broadcast_in_dim3A_401 = vector.broadcast %jit3A_399 : i32 to vector<16xi32>
      %select_n3A_402 = arith.select %ge3A_397, %broadcast_in_dim3A_400, %broadcast_in_dim3A_401 : vector<16xi1>, vector<16xi32>
      %add3A_403 = arith.addi %add3A_394, %select_n3A_402 : vector<16xi32>
      %mul3A_404 = arith.constant 4 : i32
      %mul3A_405 = vector.broadcast %mul3A_404 : i32 to vector<16xi32>
      %mul3A_406 = arith.muli %mul3A_405, %get3A_377 : vector<16xi32>
      %mul3A_407 = arith.constant 1015807 : i32
      %mul3A_408 = vector.broadcast %mul3A_407 : i32 to vector<16xi32>
      %mul3A_409 = arith.muli %add3A_403, %mul3A_408 : vector<16xi32>
      %sub3A_410 = arith.subi %mul3A_406, %mul3A_409 : vector<16xi32>
      %swap3A_411 = arith.index_cast %scan3A_147 : i32 to index
      %swap3A_412 = arith.constant 96 : index
      %swap3A_413 = tpu.vector_load %arg6[%swap3A_411, %swap3A_412] {strides = array<i32>} : memref<200x128xi32, #tpu.memory_space<vmem>>, vector<16xi32>,
      tpu.vector_store %arg6[%swap3A_411, %swap3A_412], %sub3A_410 {strides = array<i32>} : memref<200x128xi32, #tpu.memory_space<vmem>>, vector<16xi32>,
      %get3A_414 = arith.index_cast %scan3A_147 : i32 to index
      %get3A_415 = arith.constant 112 : index
      %get3A_416 = tpu.vector_load %arg6[%get3A_414, %get3A_415] {strides = array<i32>} : memref<200x128xi32, #tpu.memory_space<vmem>>, vector<16xi32>,
      %ge3A_417 = arith.constant 253952 : i32
      %ge3A_418 = vector.broadcast %ge3A_417 : i32 to vector<16xi32>
      %ge3A_419 = arith.cmpi sge, %get3A_416, %ge3A_418 : vector<16xi32>
      %jit3A_420 = arith.constant 1 : i32
      %jit3A_421 = arith.constant 0 : i32
      %broadcast_in_dim3A_422 = vector.broadcast %jit3A_420 : i32 to vector<16xi32>
      %broadcast_in_dim3A_423 = vector.broadcast %jit3A_421 : i32 to vector<16xi32>
      %select_n3A_424 = arith.select %ge3A_419, %broadcast_in_dim3A_422, %broadcast_in_dim3A_423 : vector<16xi1>, vector<16xi32>
      %ge3A_425 = arith.constant 507904 : i32
      %ge3A_426 = vector.broadcast %ge3A_425 : i32 to vector<16xi32>
      %ge3A_427 = arith.cmpi sge, %get3A_416, %ge3A_426 : vector<16xi32>
      %jit3A_428 = arith.constant 1 : i32
      %jit3A_429 = arith.constant 0 : i32
      %broadcast_in_dim3A_430 = vector.broadcast %jit3A_428 : i32 to vector<16xi32>
      %broadcast_in_dim3A_431 = vector.broadcast %jit3A_429 : i32 to vector<16xi32>
      %select_n3A_432 = arith.select %ge3A_427, %broadcast_in_dim3A_430, %broadcast_in_dim3A_431 : vector<16xi1>, vector<16xi32>
      %add3A_433 = arith.addi %select_n3A_424, %select_n3A_432 : vector<16xi32>
      %ge3A_434 = arith.constant 761856 : i32
      %ge3A_435 = vector.broadcast %ge3A_434 : i32 to vector<16xi32>
      %ge3A_436 = arith.cmpi sge, %get3A_416, %ge3A_435 : vector<16xi32>
      %jit3A_437 = arith.constant 1 : i32
      %jit3A_438 = arith.constant 0 : i32
      %broadcast_in_dim3A_439 = vector.broadcast %jit3A_437 : i32 to vector<16xi32>
      %broadcast_in_dim3A_440 = vector.broadcast %jit3A_438 : i32 to vector<16xi32>
      %select_n3A_441 = arith.select %ge3A_436, %broadcast_in_dim3A_439, %broadcast_in_dim3A_440 : vector<16xi1>, vector<16xi32>
      %add3A_442 = arith.addi %add3A_433, %select_n3A_441 : vector<16xi32>
      %mul3A_443 = arith.constant 4 : i32
      %mul3A_444 = vector.broadcast %mul3A_443 : i32 to vector<16xi32>
      %mul3A_445 = arith.muli %mul3A_444, %get3A_416 : vector<16xi32>
      %mul3A_446 = arith.constant 1015807 : i32
      %mul3A_447 = vector.broadcast %mul3A_446 : i32 to vector<16xi32>
      %mul3A_448 = arith.muli %add3A_442, %mul3A_447 : vector<16xi32>
      %sub3A_449 = arith.subi %mul3A_445, %mul3A_448 : vector<16xi32>
      %swap3A_450 = arith.index_cast %scan3A_147 : i32 to index
      %swap3A_451 = arith.constant 112 : index
      %swap3A_452 = tpu.vector_load %arg6[%swap3A_450, %swap3A_451] {strides = array<i32>} : memref<200x128xi32, #tpu.memory_space<vmem>>, vector<16xi32>,
      tpu.vector_store %arg6[%swap3A_450, %swap3A_451], %sub3A_449 {strides = array<i32>} : memref<200x128xi32, #tpu.memory_space<vmem>>, vector<16xi32>,
      %scan3A_453 = arith.constant 1 : i32
      %scan3A_454 = arith.addi %scan3A_147, %scan3A_453 : i32
      %get3A_455 = arith.index_cast %scan3A_454 : i32 to index
      %get3A_456 = arith.constant 0 : index
      %get3A_457 = tpu.vector_load %arg6[%get3A_455, %get3A_456] {strides = array<i32>} : memref<200x128xi32, #tpu.memory_space<vmem>>, vector<16xi32>,
      %ge3A_458 = arith.constant 253952 : i32
      %ge3A_459 = vector.broadcast %ge3A_458 : i32 to vector<16xi32>
      %ge3A_460 = arith.cmpi sge, %get3A_457, %ge3A_459 : vector<16xi32>
      %jit3A_461 = arith.constant 1 : i32
      %jit3A_462 = arith.constant 0 : i32
      %broadcast_in_dim3A_463 = vector.broadcast %jit3A_461 : i32 to vector<16xi32>
      %broadcast_in_dim3A_464 = vector.broadcast %jit3A_462 : i32 to vector<16xi32>
      %select_n3A_465 = arith.select %ge3A_460, %broadcast_in_dim3A_463, %broadcast_in_dim3A_464 : vector<16xi1>, vector<16xi32>
      %ge3A_466 = arith.constant 507904 : i32
      %ge3A_467 = vector.broadcast %ge3A_466 : i32 to vector<16xi32>
      %ge3A_468 = arith.cmpi sge, %get3A_457, %ge3A_467 : vector<16xi32>
      %jit3A_469 = arith.constant 1 : i32
      %jit3A_470 = arith.constant 0 : i32
      %broadcast_in_dim3A_471 = vector.broadcast %jit3A_469 : i32 to vector<16xi32>
      %broadcast_in_dim3A_472 = vector.broadcast %jit3A_470 : i32 to vector<16xi32>
      %select_n3A_473 = arith.select %ge3A_468, %broadcast_in_dim3A_471, %broadcast_in_dim3A_472 : vector<16xi1>, vector<16xi32>
      %add3A_474 = arith.addi %select_n3A_465, %select_n3A_473 : vector<16xi32>
      %ge3A_475 = arith.constant 761856 : i32
      %ge3A_476 = vector.broadcast %ge3A_475 : i32 to vector<16xi32>
      %ge3A_477 = arith.cmpi sge, %get3A_457, %ge3A_476 : vector<16xi32>
      %jit3A_478 = arith.constant 1 : i32
      %jit3A_479 = arith.constant 0 : i32
      %broadcast_in_dim3A_480 = vector.broadcast %jit3A_478 : i32 to vector<16xi32>
      %broadcast_in_dim3A_481 = vector.broadcast %jit3A_479 : i32 to vector<16xi32>
      %select_n3A_482 = arith.select %ge3A_477, %broadcast_in_dim3A_480, %broadcast_in_dim3A_481 : vector<16xi1>, vector<16xi32>
      %add3A_483 = arith.addi %add3A_474, %select_n3A_482 : vector<16xi32>
      %mul3A_484 = arith.constant 4 : i32
      %mul3A_485 = vector.broadcast %mul3A_484 : i32 to vector<16xi32>
      %mul3A_486 = arith.muli %mul3A_485, %get3A_457 : vector<16xi32>
      %mul3A_487 = arith.constant 1015807 : i32
      %mul3A_488 = vector.broadcast %mul3A_487 : i32 to vector<16xi32>
      %mul3A_489 = arith.muli %add3A_483, %mul3A_488 : vector<16xi32>
      %sub3A_490 = arith.subi %mul3A_486, %mul3A_489 : vector<16xi32>
      %swap3A_491 = arith.index_cast %scan3A_454 : i32 to index
      %swap3A_492 = arith.constant 0 : index
      %swap3A_493 = tpu.vector_load %arg6[%swap3A_491, %swap3A_492] {strides = array<i32>} : memref<200x128xi32, #tpu.memory_space<vmem>>, vector<16xi32>,
      tpu.vector_store %arg6[%swap3A_491, %swap3A_492], %sub3A_490 {strides = array<i32>} : memref<200x128xi32, #tpu.memory_space<vmem>>, vector<16xi32>,
      %get3A_494 = arith.index_cast %scan3A_454 : i32 to index
      %get3A_495 = arith.constant 16 : index
      %get3A_496 = tpu.vector_load %arg6[%get3A_494, %get3A_495] {strides = array<i32>} : memref<200x128xi32, #tpu.memory_space<vmem>>, vector<16xi32>,
      %ge3A_497 = arith.constant 253952 : i32
      %ge3A_498 = vector.broadcast %ge3A_497 : i32 to vector<16xi32>
      %ge3A_499 = arith.cmpi sge, %get3A_496, %ge3A_498 : vector<16xi32>
      %jit3A_500 = arith.constant 1 : i32
      %jit3A_501 = arith.constant 0 : i32
      %broadcast_in_dim3A_502 = vector.broadcast %jit3A_500 : i32 to vector<16xi32>
      %broadcast_in_dim3A_503 = vector.broadcast %jit3A_501 : i32 to vector<16xi32>
      %select_n3A_504 = arith.select %ge3A_499, %broadcast_in_dim3A_502, %broadcast_in_dim3A_503 : vector<16xi1>, vector<16xi32>
      %ge3A_505 = arith.constant 507904 : i32
      %ge3A_506 = vector.broadcast %ge3A_505 : i32 to vector<16xi32>
      %ge3A_507 = arith.cmpi sge, %get3A_496, %ge3A_506 : vector<16xi32>
      %jit3A_508 = arith.constant 1 : i32
      %jit3A_509 = arith.constant 0 : i32
      %broadcast_in_dim3A_510 = vector.broadcast %jit3A_508 : i32 to vector<16xi32>
      %broadcast_in_dim3A_511 = vector.broadcast %jit3A_509 : i32 to vector<16xi32>
      %select_n3A_512 = arith.select %ge3A_507, %broadcast_in_dim3A_510, %broadcast_in_dim3A_511 : vector<16xi1>, vector<16xi32>
      %add3A_513 = arith.addi %select_n3A_504, %select_n3A_512 : vector<16xi32>
      %ge3A_514 = arith.constant 761856 : i32
      %ge3A_515 = vector.broadcast %ge3A_514 : i32 to vector<16xi32>
      %ge3A_516 = arith.cmpi sge, %get3A_496, %ge3A_515 : vector<16xi32>
      %jit3A_517 = arith.constant 1 : i32
      %jit3A_518 = arith.constant 0 : i32
      %broadcast_in_dim3A_519 = vector.broadcast %jit3A_517 : i32 to vector<16xi32>
      %broadcast_in_dim3A_520 = vector.broadcast %jit3A_518 : i32 to vector<16xi32>
      %select_n3A_521 = arith.select %ge3A_516, %broadcast_in_dim3A_519, %broadcast_in_dim3A_520 : vector<16xi1>, vector<16xi32>
      %add3A_522 = arith.addi %add3A_513, %select_n3A_521 : vector<16xi32>
      %mul3A_523 = arith.constant 4 : i32
      %mul3A_524 = vector.broadcast %mul3A_523 : i32 to vector<16xi32>
      %mul3A_525 = arith.muli %mul3A_524, %get3A_496 : vector<16xi32>
      %mul3A_526 = arith.constant 1015807 : i32
      %mul3A_527 = vector.broadcast %mul3A_526 : i32 to vector<16xi32>
      %mul3A_528 = arith.muli %add3A_522, %mul3A_527 : vector<16xi32>
      %sub3A_529 = arith.subi %mul3A_525, %mul3A_528 : vector<16xi32>
      %swap3A_530 = arith.index_cast %scan3A_454 : i32 to index
      %swap3A_531 = arith.constant 16 : index
      %swap3A_532 = tpu.vector_load %arg6[%swap3A_530, %swap3A_531] {strides = array<i32>} : memref<200x128xi32, #tpu.memory_space<vmem>>, vector<16xi32>,
      tpu.vector_store %arg6[%swap3A_530, %swap3A_531], %sub3A_529 {strides = array<i32>} : memref<200x128xi32, #tpu.memory_space<vmem>>, vector<16xi32>,
      %get3A_533 = arith.index_cast %scan3A_454 : i32 to index
      %get3A_534 = arith.constant 32 : index
      %get3A_535 = tpu.vector_load %arg6[%get3A_533, %get3A_534] {strides = array<i32>} : memref<200x128xi32, #tpu.memory_space<vmem>>, vector<16xi32>,
      %ge3A_536 = arith.constant 253952 : i32
      %ge3A_537 = vector.broadcast %ge3A_536 : i32 to vector<16xi32>
      %ge3A_538 = arith.cmpi sge, %get3A_535, %ge3A_537 : vector<16xi32>
      %jit3A_539 = arith.constant 1 : i32
      %jit3A_540 = arith.constant 0 : i32
      %broadcast_in_dim3A_541 = vector.broadcast %jit3A_539 : i32 to vector<16xi32>
      %broadcast_in_dim3A_542 = vector.broadcast %jit3A_540 : i32 to vector<16xi32>
      %select_n3A_543 = arith.select %ge3A_538, %broadcast_in_dim3A_541, %broadcast_in_dim3A_542 : vector<16xi1>, vector<16xi32>
      %ge3A_544 = arith.constant 507904 : i32
      %ge3A_545 = vector.broadcast %ge3A_544 : i32 to vector<16xi32>
      %ge3A_546 = arith.cmpi sge, %get3A_535, %ge3A_545 : vector<16xi32>
      %jit3A_547 = arith.constant 1 : i32
      %jit3A_548 = arith.constant 0 : i32
      %broadcast_in_dim3A_549 = vector.broadcast %jit3A_547 : i32 to vector<16xi32>
      %broadcast_in_dim3A_550 = vector.broadcast %jit3A_548 : i32 to vector<16xi32>
      %select_n3A_551 = arith.select %ge3A_546, %broadcast_in_dim3A_549, %broadcast_in_dim3A_550 : vector<16xi1>, vector<16xi32>
      %add3A_552 = arith.addi %select_n3A_543, %select_n3A_551 : vector<16xi32>
      %ge3A_553 = arith.constant 761856 : i32
      %ge3A_554 = vector.broadcast %ge3A_553 : i32 to vector<16xi32>
      %ge3A_555 = arith.cmpi sge, %get3A_535, %ge3A_554 : vector<16xi32>
      %jit3A_556 = arith.constant 1 : i32
      %jit3A_557 = arith.constant 0 : i32
      %broadcast_in_dim3A_558 = vector.broadcast %jit3A_556 : i32 to vector<16xi32>
      %broadcast_in_dim3A_559 = vector.broadcast %jit3A_557 : i32 to vector<16xi32>
      %select_n3A_560 = arith.select %ge3A_555, %broadcast_in_dim3A_558, %broadcast_in_dim3A_559 : vector<16xi1>, vector<16xi32>
      %add3A_561 = arith.addi %add3A_552, %select_n3A_560 : vector<16xi32>
      %mul3A_562 = arith.constant 4 : i32
      %mul3A_563 = vector.broadcast %mul3A_562 : i32 to vector<16xi32>
      %mul3A_564 = arith.muli %mul3A_563, %get3A_535 : vector<16xi32>
      %mul3A_565 = arith.constant 1015807 : i32
      %mul3A_566 = vector.broadcast %mul3A_565 : i32 to vector<16xi32>
      %mul3A_567 = arith.muli %add3A_561, %mul3A_566 : vector<16xi32>
      %sub3A_568 = arith.subi %mul3A_564, %mul3A_567 : vector<16xi32>
      %swap3A_569 = arith.index_cast %scan3A_454 : i32 to index
      %swap3A_570 = arith.constant 32 : index
      %swap3A_571 = tpu.vector_load %arg6[%swap3A_569, %swap3A_570] {strides = array<i32>} : memref<200x128xi32, #tpu.memory_space<vmem>>, vector<16xi32>,
      tpu.vector_store %arg6[%swap3A_569, %swap3A_570], %sub3A_568 {strides = array<i32>} : memref<200x128xi32, #tpu.memory_space<vmem>>, vector<16xi32>,
      %get3A_572 = arith.index_cast %scan3A_454 : i32 to index
      %get3A_573 = arith.constant 48 : index
      %get3A_574 = tpu.vector_load %arg6[%get3A_572, %get3A_573] {strides = array<i32>} : memref<200x128xi32, #tpu.memory_space<vmem>>, vector<16xi32>,
      %ge3A_575 = arith.constant 253952 : i32
      %ge3A_576 = vector.broadcast %ge3A_575 : i32 to vector<16xi32>
      %ge3A_577 = arith.cmpi sge, %get3A_574, %ge3A_576 : vector<16xi32>
      %jit3A_578 = arith.constant 1 : i32
      %jit3A_579 = arith.constant 0 : i32
      %broadcast_in_dim3A_580 = vector.broadcast %jit3A_578 : i32 to vector<16xi32>
      %broadcast_in_dim3A_581 = vector.broadcast %jit3A_579 : i32 to vector<16xi32>
      %select_n3A_582 = arith.select %ge3A_577, %broadcast_in_dim3A_580, %broadcast_in_dim3A_581 : vector<16xi1>, vector<16xi32>
      %ge3A_583 = arith.constant 507904 : i32
      %ge3A_584 = vector.broadcast %ge3A_583 : i32 to vector<16xi32>
      %ge3A_585 = arith.cmpi sge, %get3A_574, %ge3A_584 : vector<16xi32>
      %jit3A_586 = arith.constant 1 : i32
      %jit3A_587 = arith.constant 0 : i32
      %broadcast_in_dim3A_588 = vector.broadcast %jit3A_586 : i32 to vector<16xi32>
      %broadcast_in_dim3A_589 = vector.broadcast %jit3A_587 : i32 to vector<16xi32>
      %select_n3A_590 = arith.select %ge3A_585, %broadcast_in_dim3A_588, %broadcast_in_dim3A_589 : vector<16xi1>, vector<16xi32>
      %add3A_591 = arith.addi %select_n3A_582, %select_n3A_590 : vector<16xi32>
      %ge3A_592 = arith.constant 761856 : i32
      %ge3A_593 = vector.broadcast %ge3A_592 : i32 to vector<16xi32>
      %ge3A_594 = arith.cmpi sge, %get3A_574, %ge3A_593 : vector<16xi32>
      %jit3A_595 = arith.constant 1 : i32
      %jit3A_596 = arith.constant 0 : i32
      %broadcast_in_dim3A_597 = vector.broadcast %jit3A_595 : i32 to vector<16xi32>
      %broadcast_in_dim3A_598 = vector.broadcast %jit3A_596 : i32 to vector<16xi32>
      %select_n3A_599 = arith.select %ge3A_594, %broadcast_in_dim3A_597, %broadcast_in_dim3A_598 : vector<16xi1>, vector<16xi32>
      %add3A_600 = arith.addi %add3A_591, %select_n3A_599 : vector<16xi32>
      %mul3A_601 = arith.constant 4 : i32
      %mul3A_602 = vector.broadcast %mul3A_601 : i32 to vector<16xi32>
      %mul3A_603 = arith.muli %mul3A_602, %get3A_574 : vector<16xi32>
      %mul3A_604 = arith.constant 1015807 : i32
      %mul3A_605 = vector.broadcast %mul3A_604 : i32 to vector<16xi32>
      %mul3A_606 = arith.muli %add3A_600, %mul3A_605 : vector<16xi32>
      %sub3A_607 = arith.subi %mul3A_603, %mul3A_606 : vector<16xi32>
      %swap3A_608 = arith.index_cast %scan3A_454 : i32 to index
      %swap3A_609 = arith.constant 48 : index
      %swap3A_610 = tpu.vector_load %arg6[%swap3A_608, %swap3A_609] {strides = array<i32>} : memref<200x128xi32, #tpu.memory_space<vmem>>, vector<16xi32>,
      tpu.vector_store %arg6[%swap3A_608, %swap3A_609], %sub3A_607 {strides = array<i32>} : memref<200x128xi32, #tpu.memory_space<vmem>>, vector<16xi32>,
      %get3A_611 = arith.index_cast %scan3A_454 : i32 to index
      %get3A_612 = arith.constant 64 : index
      %get3A_613 = tpu.vector_load %arg6[%get3A_611, %get3A_612] {strides = array<i32>} : memref<200x128xi32, #tpu.memory_space<vmem>>, vector<16xi32>,
      %ge3A_614 = arith.constant 253952 : i32
      %ge3A_615 = vector.broadcast %ge3A_614 : i32 to vector<16xi32>
      %ge3A_616 = arith.cmpi sge, %get3A_613, %ge3A_615 : vector<16xi32>
      %jit3A_617 = arith.constant 1 : i32
      %jit3A_618 = arith.constant 0 : i32
      %broadcast_in_dim3A_619 = vector.broadcast %jit3A_617 : i32 to vector<16xi32>
      %broadcast_in_dim3A_620 = vector.broadcast %jit3A_618 : i32 to vector<16xi32>
      %select_n3A_621 = arith.select %ge3A_616, %broadcast_in_dim3A_619, %broadcast_in_dim3A_620 : vector<16xi1>, vector<16xi32>
      %ge3A_622 = arith.constant 507904 : i32
      %ge3A_623 = vector.broadcast %ge3A_622 : i32 to vector<16xi32>
      %ge3A_624 = arith.cmpi sge, %get3A_613, %ge3A_623 : vector<16xi32>
      %jit3A_625 = arith.constant 1 : i32
      %jit3A_626 = arith.constant 0 : i32
      %broadcast_in_dim3A_627 = vector.broadcast %jit3A_625 : i32 to vector<16xi32>
      %broadcast_in_dim3A_628 = vector.broadcast %jit3A_626 : i32 to vector<16xi32>
      %select_n3A_629 = arith.select %ge3A_624, %broadcast_in_dim3A_627, %broadcast_in_dim3A_628 : vector<16xi1>, vector<16xi32>
      %add3A_630 = arith.addi %select_n3A_621, %select_n3A_629 : vector<16xi32>
      %ge3A_631 = arith.constant 761856 : i32
      %ge3A_632 = vector.broadcast %ge3A_631 : i32 to vector<16xi32>
      %ge3A_633 = arith.cmpi sge, %get3A_613, %ge3A_632 : vector<16xi32>
      %jit3A_634 = arith.constant 1 : i32
      %jit3A_635 = arith.constant 0 : i32
      %broadcast_in_dim3A_636 = vector.broadcast %jit3A_634 : i32 to vector<16xi32>
      %broadcast_in_dim3A_637 = vector.broadcast %jit3A_635 : i32 to vector<16xi32>
      %select_n3A_638 = arith.select %ge3A_633, %broadcast_in_dim3A_636, %broadcast_in_dim3A_637 : vector<16xi1>, vector<16xi32>
      %add3A_639 = arith.addi %add3A_630, %select_n3A_638 : vector<16xi32>
      %mul3A_640 = arith.constant 4 : i32
      %mul3A_641 = vector.broadcast %mul3A_640 : i32 to vector<16xi32>
      %mul3A_642 = arith.muli %mul3A_641, %get3A_613 : vector<16xi32>
      %mul3A_643 = arith.constant 1015807 : i32
      %mul3A_644 = vector.broadcast %mul3A_643 : i32 to vector<16xi32>
      %mul3A_645 = arith.muli %add3A_639, %mul3A_644 : vector<16xi32>
      %sub3A_646 = arith.subi %mul3A_642, %mul3A_645 : vector<16xi32>
      %swap3A_647 = arith.index_cast %scan3A_454 : i32 to index
      %swap3A_648 = arith.constant 64 : index
      %swap3A_649 = tpu.vector_load %arg6[%swap3A_647, %swap3A_648] {strides = array<i32>} : memref<200x128xi32, #tpu.memory_space<vmem>>, vector<16xi32>,
      tpu.vector_store %arg6[%swap3A_647, %swap3A_648], %sub3A_646 {strides = array<i32>} : memref<200x128xi32, #tpu.memory_space<vmem>>, vector<16xi32>,
      %get3A_650 = arith.index_cast %scan3A_454 : i32 to index
      %get3A_651 = arith.constant 80 : index
      %get3A_652 = tpu.vector_load %arg6[%get3A_650, %get3A_651] {strides = array<i32>} : memref<200x128xi32, #tpu.memory_space<vmem>>, vector<16xi32>,
      %ge3A_653 = arith.constant 253952 : i32
      %ge3A_654 = vector.broadcast %ge3A_653 : i32 to vector<16xi32>
      %ge3A_655 = arith.cmpi sge, %get3A_652, %ge3A_654 : vector<16xi32>
      %jit3A_656 = arith.constant 1 : i32
      %jit3A_657 = arith.constant 0 : i32
      %broadcast_in_dim3A_658 = vector.broadcast %jit3A_656 : i32 to vector<16xi32>
      %broadcast_in_dim3A_659 = vector.broadcast %jit3A_657 : i32 to vector<16xi32>
      %select_n3A_660 = arith.select %ge3A_655, %broadcast_in_dim3A_658, %broadcast_in_dim3A_659 : vector<16xi1>, vector<16xi32>
      %ge3A_661 = arith.constant 507904 : i32
      %ge3A_662 = vector.broadcast %ge3A_661 : i32 to vector<16xi32>
      %ge3A_663 = arith.cmpi sge, %get3A_652, %ge3A_662 : vector<16xi32>
      %jit3A_664 = arith.constant 1 : i32
      %jit3A_665 = arith.constant 0 : i32
      %broadcast_in_dim3A_666 = vector.broadcast %jit3A_664 : i32 to vector<16xi32>
      %broadcast_in_dim3A_667 = vector.broadcast %jit3A_665 : i32 to vector<16xi32>
      %select_n3A_668 = arith.select %ge3A_663, %broadcast_in_dim3A_666, %broadcast_in_dim3A_667 : vector<16xi1>, vector<16xi32>
      %add3A_669 = arith.addi %select_n3A_660, %select_n3A_668 : vector<16xi32>
      %ge3A_670 = arith.constant 761856 : i32
      %ge3A_671 = vector.broadcast %ge3A_670 : i32 to vector<16xi32>
      %ge3A_672 = arith.cmpi sge, %get3A_652, %ge3A_671 : vector<16xi32>
      %jit3A_673 = arith.constant 1 : i32
      %jit3A_674 = arith.constant 0 : i32
      %broadcast_in_dim3A_675 = vector.broadcast %jit3A_673 : i32 to vector<16xi32>
      %broadcast_in_dim3A_676 = vector.broadcast %jit3A_674 : i32 to vector<16xi32>
      %select_n3A_677 = arith.select %ge3A_672, %broadcast_in_dim3A_675, %broadcast_in_dim3A_676 : vector<16xi1>, vector<16xi32>
      %add3A_678 = arith.addi %add3A_669, %select_n3A_677 : vector<16xi32>
      %mul3A_679 = arith.constant 4 : i32
      %mul3A_680 = vector.broadcast %mul3A_679 : i32 to vector<16xi32>
      %mul3A_681 = arith.muli %mul3A_680, %get3A_652 : vector<16xi32>
      %mul3A_682 = arith.constant 1015807 : i32
      %mul3A_683 = vector.broadcast %mul3A_682 : i32 to vector<16xi32>
      %mul3A_684 = arith.muli %add3A_678, %mul3A_683 : vector<16xi32>
      %sub3A_685 = arith.subi %mul3A_681, %mul3A_684 : vector<16xi32>
      %swap3A_686 = arith.index_cast %scan3A_454 : i32 to index
      %swap3A_687 = arith.constant 80 : index
      %swap3A_688 = tpu.vector_load %arg6[%swap3A_686, %swap3A_687] {strides = array<i32>} : memref<200x128xi32, #tpu.memory_space<vmem>>, vector<16xi32>,
      tpu.vector_store %arg6[%swap3A_686, %swap3A_687], %sub3A_685 {strides = array<i32>} : memref<200x128xi32, #tpu.memory_space<vmem>>, vector<16xi32>,
      %get3A_689 = arith.index_cast %scan3A_454 : i32 to index
      %get3A_690 = arith.constant 96 : index
      %get3A_691 = tpu.vector_load %arg6[%get3A_689, %get3A_690] {strides = array<i32>} : memref<200x128xi32, #tpu.memory_space<vmem>>, vector<16xi32>,
      %ge3A_692 = arith.constant 253952 : i32
      %ge3A_693 = vector.broadcast %ge3A_692 : i32 to vector<16xi32>
      %ge3A_694 = arith.cmpi sge, %get3A_691, %ge3A_693 : vector<16xi32>
      %jit3A_695 = arith.constant 1 : i32
      %jit3A_696 = arith.constant 0 : i32
      %broadcast_in_dim3A_697 = vector.broadcast %jit3A_695 : i32 to vector<16xi32>
      %broadcast_in_dim3A_698 = vector.broadcast %jit3A_696 : i32 to vector<16xi32>
      %select_n3A_699 = arith.select %ge3A_694, %broadcast_in_dim3A_697, %broadcast_in_dim3A_698 : vector<16xi1>, vector<16xi32>
      %ge3A_700 = arith.constant 507904 : i32
      %ge3A_701 = vector.broadcast %ge3A_700 : i32 to vector<16xi32>
      %ge3A_702 = arith.cmpi sge, %get3A_691, %ge3A_701 : vector<16xi32>
      %jit3A_703 = arith.constant 1 : i32
      %jit3A_704 = arith.constant 0 : i32
      %broadcast_in_dim3A_705 = vector.broadcast %jit3A_703 : i32 to vector<16xi32>
      %broadcast_in_dim3A_706 = vector.broadcast %jit3A_704 : i32 to vector<16xi32>
      %select_n3A_707 = arith.select %ge3A_702, %broadcast_in_dim3A_705, %broadcast_in_dim3A_706 : vector<16xi1>, vector<16xi32>
      %add3A_708 = arith.addi %select_n3A_699, %select_n3A_707 : vector<16xi32>
      %ge3A_709 = arith.constant 761856 : i32
      %ge3A_710 = vector.broadcast %ge3A_709 : i32 to vector<16xi32>
      %ge3A_711 = arith.cmpi sge, %get3A_691, %ge3A_710 : vector<16xi32>
      %jit3A_712 = arith.constant 1 : i32
      %jit3A_713 = arith.constant 0 : i32
      %broadcast_in_dim3A_714 = vector.broadcast %jit3A_712 : i32 to vector<16xi32>
      %broadcast_in_dim3A_715 = vector.broadcast %jit3A_713 : i32 to vector<16xi32>
      %select_n3A_716 = arith.select %ge3A_711, %broadcast_in_dim3A_714, %broadcast_in_dim3A_715 : vector<16xi1>, vector<16xi32>
      %add3A_717 = arith.addi %add3A_708, %select_n3A_716 : vector<16xi32>
      %mul3A_718 = arith.constant 4 : i32
      %mul3A_719 = vector.broadcast %mul3A_718 : i32 to vector<16xi32>
      %mul3A_720 = arith.muli %mul3A_719, %get3A_691 : vector<16xi32>
      %mul3A_721 = arith.constant 1015807 : i32
      %mul3A_722 = vector.broadcast %mul3A_721 : i32 to vector<16xi32>
      %mul3A_723 = arith.muli %add3A_717, %mul3A_722 : vector<16xi32>
      %sub3A_724 = arith.subi %mul3A_720, %mul3A_723 : vector<16xi32>
      %swap3A_725 = arith.index_cast %scan3A_454 : i32 to index
      %swap3A_726 = arith.constant 96 : index
      %swap3A_727 = tpu.vector_load %arg6[%swap3A_725, %swap3A_726] {strides = array<i32>} : memref<200x128xi32, #tpu.memory_space<vmem>>, vector<16xi32>,
      tpu.vector_store %arg6[%swap3A_725, %swap3A_726], %sub3A_724 {strides = array<i32>} : memref<200x128xi32, #tpu.memory_space<vmem>>, vector<16xi32>,
      %get3A_728 = arith.index_cast %scan3A_454 : i32 to index
      %get3A_729 = arith.constant 112 : index
      %get3A_730 = tpu.vector_load %arg6[%get3A_728, %get3A_729] {strides = array<i32>} : memref<200x128xi32, #tpu.memory_space<vmem>>, vector<16xi32>,
      %ge3A_731 = arith.constant 253952 : i32
      %ge3A_732 = vector.broadcast %ge3A_731 : i32 to vector<16xi32>
      %ge3A_733 = arith.cmpi sge, %get3A_730, %ge3A_732 : vector<16xi32>
      %jit3A_734 = arith.constant 1 : i32
      %jit3A_735 = arith.constant 0 : i32
      %broadcast_in_dim3A_736 = vector.broadcast %jit3A_734 : i32 to vector<16xi32>
      %broadcast_in_dim3A_737 = vector.broadcast %jit3A_735 : i32 to vector<16xi32>
      %select_n3A_738 = arith.select %ge3A_733, %broadcast_in_dim3A_736, %broadcast_in_dim3A_737 : vector<16xi1>, vector<16xi32>
      %ge3A_739 = arith.constant 507904 : i32
      %ge3A_740 = vector.broadcast %ge3A_739 : i32 to vector<16xi32>
      %ge3A_741 = arith.cmpi sge, %get3A_730, %ge3A_740 : vector<16xi32>
      %jit3A_742 = arith.constant 1 : i32
      %jit3A_743 = arith.constant 0 : i32
      %broadcast_in_dim3A_744 = vector.broadcast %jit3A_742 : i32 to vector<16xi32>
      %broadcast_in_dim3A_745 = vector.broadcast %jit3A_743 : i32 to vector<16xi32>
      %select_n3A_746 = arith.select %ge3A_741, %broadcast_in_dim3A_744, %broadcast_in_dim3A_745 : vector<16xi1>, vector<16xi32>
      %add3A_747 = arith.addi %select_n3A_738, %select_n3A_746 : vector<16xi32>
      %ge3A_748 = arith.constant 761856 : i32
      %ge3A_749 = vector.broadcast %ge3A_748 : i32 to vector<16xi32>
      %ge3A_750 = arith.cmpi sge, %get3A_730, %ge3A_749 : vector<16xi32>
      %jit3A_751 = arith.constant 1 : i32
      %jit3A_752 = arith.constant 0 : i32
      %broadcast_in_dim3A_753 = vector.broadcast %jit3A_751 : i32 to vector<16xi32>
      %broadcast_in_dim3A_754 = vector.broadcast %jit3A_752 : i32 to vector<16xi32>
      %select_n3A_755 = arith.select %ge3A_750, %broadcast_in_dim3A_753, %broadcast_in_dim3A_754 : vector<16xi1>, vector<16xi32>
      %add3A_756 = arith.addi %add3A_747, %select_n3A_755 : vector<16xi32>
      %mul3A_757 = arith.constant 4 : i32
      %mul3A_758 = vector.broadcast %mul3A_757 : i32 to vector<16xi32>
      %mul3A_759 = arith.muli %mul3A_758, %get3A_730 : vector<16xi32>
      %mul3A_760 = arith.constant 1015807 : i32
      %mul3A_761 = vector.broadcast %mul3A_760 : i32 to vector<16xi32>
      %mul3A_762 = arith.muli %add3A_756, %mul3A_761 : vector<16xi32>
      %sub3A_763 = arith.subi %mul3A_759, %mul3A_762 : vector<16xi32>
      %swap3A_764 = arith.index_cast %scan3A_454 : i32 to index
      %swap3A_765 = arith.constant 112 : index
      %swap3A_766 = tpu.vector_load %arg6[%swap3A_764, %swap3A_765] {strides = array<i32>} : memref<200x128xi32, #tpu.memory_space<vmem>>, vector<16xi32>,
      tpu.vector_store %arg6[%swap3A_764, %swap3A_765], %sub3A_763 {strides = array<i32>} : memref<200x128xi32, #tpu.memory_space<vmem>>, vector<16xi32>,
    }
    %scan3A_7 = arith.constant 200 : i32
    %iota3A = tpu.iota {dimensions = array<i32: 0>} : vector<16xi32>
    %dma_start3A = arith.constant 0 : i32
    %dma_start3A_8 = arith.constant 0 : i32
    %dma_start3A_9 = tpu.memref_slice %arg6[%dma_start3A, %dma_start3A_8] : memref<200x128xi32, #tpu.memory_space<vmem>> -> memref<1x128xi32, #tpu.memory_space<vmem>>
    %dma_start3A_10 = tpu.memref_squeeze %dma_start3A_9 : memref<1x128xi32, #tpu.memory_space<vmem>> -> memref<128xi32, #tpu.memory_space<vmem>>
    %dma_start3A_11 = arith.constant 0 : i32
    %dma_start3A_12 = arith.constant 0 : i32
    %dma_start3A_13 = tpu.memref_slice %arg3[%dma_start3A_11, %dma_start3A_12] : memref<1015808x32xf32, #tpu.memory_space<hbm>> -> memref<1015808x32xf32, #tpu.memory_space<hbm>>
    tpu.enqueue_indirect_dma source(%dma_start3A_13 : memref<1015808x32xf32, #tpu.memory_space<hbm>>) target(%arg8 : memref<128x32xf32, #tpu.memory_space<vmem>>) offsets(%dma_start3A_10 : memref<128xi32, #tpu.memory_space<vmem>>) semaphore(%arg12 : memref<!tpu.dma_semaphore, #tpu.memory_space<semaphore_mem>>)
    %scan3A_14 = arith.constant 0 : i32
    %scan3A_15 = arith.constant 0 : i32
    %scan3A_16 = arith.constant 100 : i32
    %scan3A_17 = arith.addi %scan3A_15, %scan3A_16 : i32
    %scan3A_18 = arith.constant 1 : i32
    scf.for %scan3A_147 = %scan3A_15 to %scan3A_17 step %scan3A_18  : i32 {
      %mul3A_148 = arith.constant 2 : i32
      %mul3A_149 = arith.muli %scan3A_147, %mul3A_148 : i32
      %add3A_150 = arith.constant 0 : i32
      %add3A_151 = arith.addi %mul3A_149, %add3A_150 : i32
      %add3A_152 = arith.constant 1 : i32
      %add3A_153 = arith.addi %add3A_151, %add3A_152 : i32
      %lt3A = arith.constant 200 : i32
      %lt3A_154 = arith.cmpi slt, %add3A_153, %lt3A : i32
      %convert_element_type3A = arith.extui %lt3A_154 : i1 to i32
      %cond3A = arith.constant 0 : i32
      %cond3A_155 = arith.cmpi ne, %convert_element_type3A, %cond3A : i32
      scf.if %cond3A_155 {
        %ge3A = arith.constant 1 : i32
        %ge3A_320 = arith.cmpi sge, %add3A_151, %ge3A : i32
        %convert_element_type3A_321 = arith.extui %ge3A_320 : i1 to i32
        %cond3A_322 = arith.constant 0 : i32
        %cond3A_323 = arith.cmpi ne, %convert_element_type3A_321, %cond3A_322 : i32
        scf.if %cond3A_323 {
          %sub3A = arith.constant 1 : i32
          %sub3A_332 = arith.subi %add3A_151, %sub3A : i32
          %dma_wait3A_333 = arith.constant 0 : i32
          %dma_wait3A_334 = arith.constant 0 : i32
          %dma_wait3A_335 = arith.constant 0 : i32
          %dma_wait3A_336 = tpu.memref_slice %arg11[%dma_wait3A_334, %dma_wait3A_335] : memref<32x129xf32, #tpu.memory_space<vmem>> -> memref<8x128xf32, #tpu.memory_space<vmem>>
          %dma_wait3A_337 = arith.constant 0 : i32
          %dma_wait3A_338 = arith.constant 0 : i32
          %dma_wait3A_339 = tpu.memref_slice %arg5[%sub3A_332, %dma_wait3A_333, %add3A, %dma_wait3A_337, %dma_wait3A_338] : memref<200x4x32x8x128xf32, #tpu.memory_space<hbm>> -> memref<1x1x1x8x128xf32, #tpu.memory_space<hbm>>
          %dma_wait3A_340 = tpu.memref_squeeze %dma_wait3A_339 : memref<1x1x1x8x128xf32, #tpu.memory_space<hbm>> -> memref<8x128xf32, #tpu.memory_space<hbm>>
          %dma_wait3A_341 = arith.constant 0 : i32
          %dma_wait3A_342 = arith.constant 0 : i32
          %dma_wait3A_343 = tpu.memref_slice %arg5[%sub3A_332, %dma_wait3A_333, %add3A, %dma_wait3A_341, %dma_wait3A_342] : memref<200x4x32x8x128xf32, #tpu.memory_space<hbm>> -> memref<1x1x1x8x128xf32, #tpu.memory_space<hbm>>
          %dma_wait3A_344 = tpu.memref_squeeze %dma_wait3A_343 : memref<1x1x1x8x128xf32, #tpu.memory_space<hbm>> -> memref<8x128xf32, #tpu.memory_space<hbm>>
          %dma_wait3A_345 = arith.constant 0 : i32
          %dma_wait3A_346 = arith.constant 0 : i32
          %dma_wait3A_347 = tpu.memref_slice %arg11[%dma_wait3A_345, %dma_wait3A_346] : memref<32x129xf32, #tpu.memory_space<vmem>> -> memref<8x128xf32, #tpu.memory_space<vmem>>
          tpu.wait_dma2 semaphore(%arg15 : memref<!tpu.dma_semaphore, #tpu.memory_space<semaphore_mem>>) src(%dma_wait3A_347 : memref<8x128xf32, #tpu.memory_space<vmem>>) dst(%dma_wait3A_344 : memref<8x128xf32, #tpu.memory_space<hbm>>)
          %dma_wait3A_348 = arith.constant 1 : i32
          %dma_wait3A_349 = arith.constant 8 : i32
          %dma_wait3A_350 = arith.constant 0 : i32
          %dma_wait3A_351 = tpu.memref_slice %arg11[%dma_wait3A_349, %dma_wait3A_350] : memref<32x129xf32, #tpu.memory_space<vmem>> -> memref<8x128xf32, #tpu.memory_space<vmem>>
          %dma_wait3A_352 = arith.constant 0 : i32
          %dma_wait3A_353 = arith.constant 0 : i32
          %dma_wait3A_354 = tpu.memref_slice %arg5[%sub3A_332, %dma_wait3A_348, %add3A, %dma_wait3A_352, %dma_wait3A_353] : memref<200x4x32x8x128xf32, #tpu.memory_space<hbm>> -> memref<1x1x1x8x128xf32, #tpu.memory_space<hbm>>
          %dma_wait3A_355 = tpu.memref_squeeze %dma_wait3A_354 : memref<1x1x1x8x128xf32, #tpu.memory_space<hbm>> -> memref<8x128xf32, #tpu.memory_space<hbm>>
          %dma_wait3A_356 = arith.constant 0 : i32
          %dma_wait3A_357 = arith.constant 0 : i32
          %dma_wait3A_358 = tpu.memref_slice %arg5[%sub3A_332, %dma_wait3A_348, %add3A, %dma_wait3A_356, %dma_wait3A_357] : memref<200x4x32x8x128xf32, #tpu.memory_space<hbm>> -> memref<1x1x1x8x128xf32, #tpu.memory_space<hbm>>
          %dma_wait3A_359 = tpu.memref_squeeze %dma_wait3A_358 : memref<1x1x1x8x128xf32, #tpu.memory_space<hbm>> -> memref<8x128xf32, #tpu.memory_space<hbm>>
          %dma_wait3A_360 = arith.constant 8 : i32
          %dma_wait3A_361 = arith.constant 0 : i32
          %dma_wait3A_362 = tpu.memref_slice %arg11[%dma_wait3A_360, %dma_wait3A_361] : memref<32x129xf32, #tpu.memory_space<vmem>> -> memref<8x128xf32, #tpu.memory_space<vmem>>
          tpu.wait_dma2 semaphore(%arg15 : memref<!tpu.dma_semaphore, #tpu.memory_space<semaphore_mem>>) src(%dma_wait3A_362 : memref<8x128xf32, #tpu.memory_space<vmem>>) dst(%dma_wait3A_359 : memref<8x128xf32, #tpu.memory_space<hbm>>)
          %dma_wait3A_363 = arith.constant 2 : i32
          %dma_wait3A_364 = arith.constant 16 : i32
          %dma_wait3A_365 = arith.constant 0 : i32
          %dma_wait3A_366 = tpu.memref_slice %arg11[%dma_wait3A_364, %dma_wait3A_365] : memref<32x129xf32, #tpu.memory_space<vmem>> -> memref<8x128xf32, #tpu.memory_space<vmem>>
          %dma_wait3A_367 = arith.constant 0 : i32
          %dma_wait3A_368 = arith.constant 0 : i32
          %dma_wait3A_369 = tpu.memref_slice %arg5[%sub3A_332, %dma_wait3A_363, %add3A, %dma_wait3A_367, %dma_wait3A_368] : memref<200x4x32x8x128xf32, #tpu.memory_space<hbm>> -> memref<1x1x1x8x128xf32, #tpu.memory_space<hbm>>
          %dma_wait3A_370 = tpu.memref_squeeze %dma_wait3A_369 : memref<1x1x1x8x128xf32, #tpu.memory_space<hbm>> -> memref<8x128xf32, #tpu.memory_space<hbm>>
          %dma_wait3A_371 = arith.constant 0 : i32
          %dma_wait3A_372 = arith.constant 0 : i32
          %dma_wait3A_373 = tpu.memref_slice %arg5[%sub3A_332, %dma_wait3A_363, %add3A, %dma_wait3A_371, %dma_wait3A_372] : memref<200x4x32x8x128xf32, #tpu.memory_space<hbm>> -> memref<1x1x1x8x128xf32, #tpu.memory_space<hbm>>
          %dma_wait3A_374 = tpu.memref_squeeze %dma_wait3A_373 : memref<1x1x1x8x128xf32, #tpu.memory_space<hbm>> -> memref<8x128xf32, #tpu.memory_space<hbm>>
          %dma_wait3A_375 = arith.constant 16 : i32
          %dma_wait3A_376 = arith.constant 0 : i32
          %dma_wait3A_377 = tpu.memref_slice %arg11[%dma_wait3A_375, %dma_wait3A_376] : memref<32x129xf32, #tpu.memory_space<vmem>> -> memref<8x128xf32, #tpu.memory_space<vmem>>
          tpu.wait_dma2 semaphore(%arg15 : memref<!tpu.dma_semaphore, #tpu.memory_space<semaphore_mem>>) src(%dma_wait3A_377 : memref<8x128xf32, #tpu.memory_space<vmem>>) dst(%dma_wait3A_374 : memref<8x128xf32, #tpu.memory_space<hbm>>)
          %dma_wait3A_378 = arith.constant 3 : i32
          %dma_wait3A_379 = arith.constant 24 : i32
          %dma_wait3A_380 = arith.constant 0 : i32
          %dma_wait3A_381 = tpu.memref_slice %arg11[%dma_wait3A_379, %dma_wait3A_380] : memref<32x129xf32, #tpu.memory_space<vmem>> -> memref<8x128xf32, #tpu.memory_space<vmem>>
          %dma_wait3A_382 = arith.constant 0 : i32
          %dma_wait3A_383 = arith.constant 0 : i32
          %dma_wait3A_384 = tpu.memref_slice %arg5[%sub3A_332, %dma_wait3A_378, %add3A, %dma_wait3A_382, %dma_wait3A_383] : memref<200x4x32x8x128xf32, #tpu.memory_space<hbm>> -> memref<1x1x1x8x128xf32, #tpu.memory_space<hbm>>
          %dma_wait3A_385 = tpu.memref_squeeze %dma_wait3A_384 : memref<1x1x1x8x128xf32, #tpu.memory_space<hbm>> -> memref<8x128xf32, #tpu.memory_space<hbm>>
          %dma_wait3A_386 = arith.constant 0 : i32
          %dma_wait3A_387 = arith.constant 0 : i32
          %dma_wait3A_388 = tpu.memref_slice %arg5[%sub3A_332, %dma_wait3A_378, %add3A, %dma_wait3A_386, %dma_wait3A_387] : memref<200x4x32x8x128xf32, #tpu.memory_space<hbm>> -> memref<1x1x1x8x128xf32, #tpu.memory_space<hbm>>
          %dma_wait3A_389 = tpu.memref_squeeze %dma_wait3A_388 : memref<1x1x1x8x128xf32, #tpu.memory_space<hbm>> -> memref<8x128xf32, #tpu.memory_space<hbm>>
          %dma_wait3A_390 = arith.constant 24 : i32
          %dma_wait3A_391 = arith.constant 0 : i32
          %dma_wait3A_392 = tpu.memref_slice %arg11[%dma_wait3A_390, %dma_wait3A_391] : memref<32x129xf32, #tpu.memory_space<vmem>> -> memref<8x128xf32, #tpu.memory_space<vmem>>
          tpu.wait_dma2 semaphore(%arg15 : memref<!tpu.dma_semaphore, #tpu.memory_space<semaphore_mem>>) src(%dma_wait3A_392 : memref<8x128xf32, #tpu.memory_space<vmem>>) dst(%dma_wait3A_389 : memref<8x128xf32, #tpu.memory_space<hbm>>)
        } else {
        }
        %add3A_324 = arith.constant 1 : i32
        %add3A_325 = arith.addi %add3A_151, %add3A_324 : i32
        %dma_start3A_326 = arith.constant 0 : i32
        %dma_start3A_327 = tpu.memref_slice %arg6[%add3A_325, %dma_start3A_326] : memref<200x128xi32, #tpu.memory_space<vmem>> -> memref<1x128xi32, #tpu.memory_space<vmem>>
        %dma_start3A_328 = tpu.memref_squeeze %dma_start3A_327 : memref<1x128xi32, #tpu.memory_space<vmem>> -> memref<128xi32, #tpu.memory_space<vmem>>
        %dma_start3A_329 = arith.constant 0 : i32
        %dma_start3A_330 = arith.constant 0 : i32
        %dma_start3A_331 = tpu.memref_slice %arg3[%dma_start3A_329, %dma_start3A_330] : memref<1015808x32xf32, #tpu.memory_space<hbm>> -> memref<1015808x32xf32, #tpu.memory_space<hbm>>
        tpu.enqueue_indirect_dma source(%dma_start3A_331 : memref<1015808x32xf32, #tpu.memory_space<hbm>>) target(%arg9 : memref<128x32xf32, #tpu.memory_space<vmem>>) offsets(%dma_start3A_328 : memref<128xi32, #tpu.memory_space<vmem>>) semaphore(%arg13 : memref<!tpu.dma_semaphore, #tpu.memory_space<semaphore_mem>>)
      } else {
      }
      %dma_wait3A_156 = arith.constant 0 : i32
      %dma_wait3A_157 = tpu.memref_slice %arg6[%add3A_151, %dma_wait3A_156] : memref<200x128xi32, #tpu.memory_space<vmem>> -> memref<1x128xi32, #tpu.memory_space<vmem>>
      %dma_wait3A_158 = tpu.memref_squeeze %dma_wait3A_157 : memref<1x128xi32, #tpu.memory_space<vmem>> -> memref<128xi32, #tpu.memory_space<vmem>>
      %dma_wait3A_159 = arith.constant 0 : i32
      %dma_wait3A_160 = arith.constant 0 : i32
      %dma_wait3A_161 = tpu.memref_slice %arg3[%dma_wait3A_159, %dma_wait3A_160] : memref<1015808x32xf32, #tpu.memory_space<hbm>> -> memref<1015808x32xf32, #tpu.memory_space<hbm>>
      tpu.wait_indirect_dma semaphore(%arg12 : memref<!tpu.dma_semaphore, #tpu.memory_space<semaphore_mem>>) src(%dma_wait3A_161 : memref<1015808x32xf32, #tpu.memory_space<hbm>>) dst(%arg8 : memref<128x32xf32, #tpu.memory_space<vmem>>)
      %broadcast_in_dim3A = vector.broadcast %add3A_151 : i32 to vector<16xi32>
      %add3A_162 = arith.constant 0 : i32
      %add3A_163 = vector.broadcast %add3A_162 : i32 to vector<16xi32>
      %add3A_164 = arith.addi %iota3A, %add3A_163 : vector<16xi32>
      %gather3A = tpu.vector_load_idx %arg7[%add3A_164, %broadcast_in_dim3A] : memref<32x201xf32, #tpu.memory_space<vmem>>[vector<16xi32>, vector<16xi32>], vector<16xf32>,
      %add3A_165 = arith.constant 16 : i32
      %add3A_166 = vector.broadcast %add3A_165 : i32 to vector<16xi32>
      %add3A_167 = arith.addi %iota3A, %add3A_166 : vector<16xi32>
      %gather3A_168 = tpu.vector_load_idx %arg7[%add3A_167, %broadcast_in_dim3A] : memref<32x201xf32, #tpu.memory_space<vmem>>[vector<16xi32>, vector<16xi32>], vector<16xf32>,
      %parallel_loop3A = arith.constant 0 : i32
      %parallel_loop3A_169 = arith.constant 128 : i32
      %parallel_loop3A_170 = arith.constant 1 : i32
      scf.for %parallel_loop3A_320 = %parallel_loop3A to %parallel_loop3A_169 step %parallel_loop3A_170  : i32 {
        %parallel_loop3A_321 = vector.broadcast %parallel_loop3A_320 : i32 to vector<16xi32>
        %parallel_loop3A_322 = arith.constant 0 : i32
        %parallel_loop3A_323 = vector.broadcast %parallel_loop3A_322 : i32 to vector<16xi32>
        %parallel_loop3A_324 = arith.addi %iota3A, %parallel_loop3A_323 : vector<16xi32>
        %parallel_loop3A_325 = arith.index_cast %parallel_loop3A_320 : i32 to index
        %parallel_loop3A_326 = arith.constant 0 : index
        %parallel_loop3A_327 = tpu.vector_load %arg8[%parallel_loop3A_325, %parallel_loop3A_326] {strides = array<i32>} : memref<128x32xf32, #tpu.memory_space<vmem>>, vector<16xf32>,
        %parallel_loop3A_328 = arith.addf %parallel_loop3A_327, %gather3A : vector<16xf32>
        tpu.vector_store_idx %arg10[%parallel_loop3A_324, %parallel_loop3A_321], %parallel_loop3A_328 : memref<32x129xf32, #tpu.memory_space<vmem>>[vector<16xi32>, vector<16xi32>], vector<16xf32>,
        %parallel_loop3A_329 = arith.constant 16 : i32
        %parallel_loop3A_330 = vector.broadcast %parallel_loop3A_329 : i32 to vector<16xi32>
        %parallel_loop3A_331 = arith.addi %iota3A, %parallel_loop3A_330 : vector<16xi32>
        %parallel_loop3A_332 = arith.index_cast %parallel_loop3A_320 : i32 to index
        %parallel_loop3A_333 = arith.constant 16 : index
        %parallel_loop3A_334 = tpu.vector_load %arg8[%parallel_loop3A_332, %parallel_loop3A_333] {strides = array<i32>} : memref<128x32xf32, #tpu.memory_space<vmem>>, vector<16xf32>,
        %parallel_loop3A_335 = arith.addf %parallel_loop3A_334, %gather3A_168 : vector<16xf32>
        tpu.vector_store_idx %arg10[%parallel_loop3A_331, %parallel_loop3A_321], %parallel_loop3A_335 : memref<32x129xf32, #tpu.memory_space<vmem>>[vector<16xi32>, vector<16xi32>], vector<16xf32>,
      } {sc.loop_unroll_factor = 8 : i64, sc.parallel_access}
      %dma_start3A_171 = arith.constant 0 : i32
      %dma_start3A_172 = arith.constant 0 : i32
      %dma_start3A_173 = arith.constant 0 : i32
      %dma_start3A_174 = tpu.memref_slice %arg10[%dma_start3A_172, %dma_start3A_173] : memref<32x129xf32, #tpu.memory_space<vmem>> -> memref<8x128xf32, #tpu.memory_space<vmem>>
      %dma_start3A_175 = arith.constant 0 : i32
      %dma_start3A_176 = arith.constant 0 : i32
      %dma_start3A_177 = tpu.memref_slice %arg5[%add3A_151, %dma_start3A_171, %add3A, %dma_start3A_175, %dma_start3A_176] : memref<200x4x32x8x128xf32, #tpu.memory_space<hbm>> -> memref<1x1x1x8x128xf32, #tpu.memory_space<hbm>>
      %dma_start3A_178 = tpu.memref_squeeze %dma_start3A_177 : memref<1x1x1x8x128xf32, #tpu.memory_space<hbm>> -> memref<8x128xf32, #tpu.memory_space<hbm>>
      %dma_start3A_179 = arith.constant 0 : i32
      %dma_start3A_180 = arith.constant 0 : i32
      %dma_start3A_181 = tpu.memref_slice %arg5[%add3A_151, %dma_start3A_171, %add3A, %dma_start3A_179, %dma_start3A_180] : memref<200x4x32x8x128xf32, #tpu.memory_space<hbm>> -> memref<1x1x1x8x128xf32, #tpu.memory_space<hbm>>
      %dma_start3A_182 = tpu.memref_squeeze %dma_start3A_181 : memref<1x1x1x8x128xf32, #tpu.memory_space<hbm>> -> memref<8x128xf32, #tpu.memory_space<hbm>>
      %dma_start3A_183 = arith.constant 0 : i32
      %dma_start3A_184 = arith.constant 0 : i32
      %dma_start3A_185 = tpu.memref_slice %arg10[%dma_start3A_183, %dma_start3A_184] : memref<32x129xf32, #tpu.memory_space<vmem>> -> memref<8x128xf32, #tpu.memory_space<vmem>>
      tpu.enqueue_dma source(%dma_start3A_185 : memref<8x128xf32, #tpu.memory_space<vmem>>) target(%dma_start3A_182 : memref<8x128xf32, #tpu.memory_space<hbm>>) target_semaphore(%arg14 : memref<!tpu.dma_semaphore, #tpu.memory_space<semaphore_mem>>)
      %dma_start3A_186 = arith.constant 1 : i32
      %dma_start3A_187 = arith.constant 8 : i32
      %dma_start3A_188 = arith.constant 0 : i32
      %dma_start3A_189 = tpu.memref_slice %arg10[%dma_start3A_187, %dma_start3A_188] : memref<32x129xf32, #tpu.memory_space<vmem>> -> memref<8x128xf32, #tpu.memory_space<vmem>>
      %dma_start3A_190 = arith.constant 0 : i32
      %dma_start3A_191 = arith.constant 0 : i32
      %dma_start3A_192 = tpu.memref_slice %arg5[%add3A_151, %dma_start3A_186, %add3A, %dma_start3A_190, %dma_start3A_191] : memref<200x4x32x8x128xf32, #tpu.memory_space<hbm>> -> memref<1x1x1x8x128xf32, #tpu.memory_space<hbm>>
      %dma_start3A_193 = tpu.memref_squeeze %dma_start3A_192 : memref<1x1x1x8x128xf32, #tpu.memory_space<hbm>> -> memref<8x128xf32, #tpu.memory_space<hbm>>
      %dma_start3A_194 = arith.constant 0 : i32
      %dma_start3A_195 = arith.constant 0 : i32
      %dma_start3A_196 = tpu.memref_slice %arg5[%add3A_151, %dma_start3A_186, %add3A, %dma_start3A_194, %dma_start3A_195] : memref<200x4x32x8x128xf32, #tpu.memory_space<hbm>> -> memref<1x1x1x8x128xf32, #tpu.memory_space<hbm>>
      %dma_start3A_197 = tpu.memref_squeeze %dma_start3A_196 : memref<1x1x1x8x128xf32, #tpu.memory_space<hbm>> -> memref<8x128xf32, #tpu.memory_space<hbm>>
      %dma_start3A_198 = arith.constant 8 : i32
      %dma_start3A_199 = arith.constant 0 : i32
      %dma_start3A_200 = tpu.memref_slice %arg10[%dma_start3A_198, %dma_start3A_199] : memref<32x129xf32, #tpu.memory_space<vmem>> -> memref<8x128xf32, #tpu.memory_space<vmem>>
      tpu.enqueue_dma source(%dma_start3A_200 : memref<8x128xf32, #tpu.memory_space<vmem>>) target(%dma_start3A_197 : memref<8x128xf32, #tpu.memory_space<hbm>>) target_semaphore(%arg14 : memref<!tpu.dma_semaphore, #tpu.memory_space<semaphore_mem>>)
      %dma_start3A_201 = arith.constant 2 : i32
      %dma_start3A_202 = arith.constant 16 : i32
      %dma_start3A_203 = arith.constant 0 : i32
      %dma_start3A_204 = tpu.memref_slice %arg10[%dma_start3A_202, %dma_start3A_203] : memref<32x129xf32, #tpu.memory_space<vmem>> -> memref<8x128xf32, #tpu.memory_space<vmem>>
      %dma_start3A_205 = arith.constant 0 : i32
      %dma_start3A_206 = arith.constant 0 : i32
      %dma_start3A_207 = tpu.memref_slice %arg5[%add3A_151, %dma_start3A_201, %add3A, %dma_start3A_205, %dma_start3A_206] : memref<200x4x32x8x128xf32, #tpu.memory_space<hbm>> -> memref<1x1x1x8x128xf32, #tpu.memory_space<hbm>>
      %dma_start3A_208 = tpu.memref_squeeze %dma_start3A_207 : memref<1x1x1x8x128xf32, #tpu.memory_space<hbm>> -> memref<8x128xf32, #tpu.memory_space<hbm>>
      %dma_start3A_209 = arith.constant 0 : i32
      %dma_start3A_210 = arith.constant 0 : i32
      %dma_start3A_211 = tpu.memref_slice %arg5[%add3A_151, %dma_start3A_201, %add3A, %dma_start3A_209, %dma_start3A_210] : memref<200x4x32x8x128xf32, #tpu.memory_space<hbm>> -> memref<1x1x1x8x128xf32, #tpu.memory_space<hbm>>
      %dma_start3A_212 = tpu.memref_squeeze %dma_start3A_211 : memref<1x1x1x8x128xf32, #tpu.memory_space<hbm>> -> memref<8x128xf32, #tpu.memory_space<hbm>>
      %dma_start3A_213 = arith.constant 16 : i32
      %dma_start3A_214 = arith.constant 0 : i32
      %dma_start3A_215 = tpu.memref_slice %arg10[%dma_start3A_213, %dma_start3A_214] : memref<32x129xf32, #tpu.memory_space<vmem>> -> memref<8x128xf32, #tpu.memory_space<vmem>>
      tpu.enqueue_dma source(%dma_start3A_215 : memref<8x128xf32, #tpu.memory_space<vmem>>) target(%dma_start3A_212 : memref<8x128xf32, #tpu.memory_space<hbm>>) target_semaphore(%arg14 : memref<!tpu.dma_semaphore, #tpu.memory_space<semaphore_mem>>)
      %dma_start3A_216 = arith.constant 3 : i32
      %dma_start3A_217 = arith.constant 24 : i32
      %dma_start3A_218 = arith.constant 0 : i32
      %dma_start3A_219 = tpu.memref_slice %arg10[%dma_start3A_217, %dma_start3A_218] : memref<32x129xf32, #tpu.memory_space<vmem>> -> memref<8x128xf32, #tpu.memory_space<vmem>>
      %dma_start3A_220 = arith.constant 0 : i32
      %dma_start3A_221 = arith.constant 0 : i32
      %dma_start3A_222 = tpu.memref_slice %arg5[%add3A_151, %dma_start3A_216, %add3A, %dma_start3A_220, %dma_start3A_221] : memref<200x4x32x8x128xf32, #tpu.memory_space<hbm>> -> memref<1x1x1x8x128xf32, #tpu.memory_space<hbm>>
      %dma_start3A_223 = tpu.memref_squeeze %dma_start3A_222 : memref<1x1x1x8x128xf32, #tpu.memory_space<hbm>> -> memref<8x128xf32, #tpu.memory_space<hbm>>
      %dma_start3A_224 = arith.constant 0 : i32
      %dma_start3A_225 = arith.constant 0 : i32
      %dma_start3A_226 = tpu.memref_slice %arg5[%add3A_151, %dma_start3A_216, %add3A, %dma_start3A_224, %dma_start3A_225] : memref<200x4x32x8x128xf32, #tpu.memory_space<hbm>> -> memref<1x1x1x8x128xf32, #tpu.memory_space<hbm>>
      %dma_start3A_227 = tpu.memref_squeeze %dma_start3A_226 : memref<1x1x1x8x128xf32, #tpu.memory_space<hbm>> -> memref<8x128xf32, #tpu.memory_space<hbm>>
      %dma_start3A_228 = arith.constant 24 : i32
      %dma_start3A_229 = arith.constant 0 : i32
      %dma_start3A_230 = tpu.memref_slice %arg10[%dma_start3A_228, %dma_start3A_229] : memref<32x129xf32, #tpu.memory_space<vmem>> -> memref<8x128xf32, #tpu.memory_space<vmem>>
      tpu.enqueue_dma source(%dma_start3A_230 : memref<8x128xf32, #tpu.memory_space<vmem>>) target(%dma_start3A_227 : memref<8x128xf32, #tpu.memory_space<hbm>>) target_semaphore(%arg14 : memref<!tpu.dma_semaphore, #tpu.memory_space<semaphore_mem>>)
      %mul3A_231 = arith.constant 2 : i32
      %mul3A_232 = arith.muli %scan3A_147, %mul3A_231 : i32
      %add3A_233 = arith.constant 1 : i32
      %add3A_234 = arith.addi %mul3A_232, %add3A_233 : i32
      %add3A_235 = arith.constant 1 : i32
      %add3A_236 = arith.addi %add3A_234, %add3A_235 : i32
      %lt3A_237 = arith.constant 200 : i32
      %lt3A_238 = arith.cmpi slt, %add3A_236, %lt3A_237 : i32
      %convert_element_type3A_239 = arith.extui %lt3A_238 : i1 to i32
      %cond3A_240 = arith.constant 0 : i32
      %cond3A_241 = arith.cmpi ne, %convert_element_type3A_239, %cond3A_240 : i32
      scf.if %cond3A_241 {
        %ge3A = arith.constant 1 : i32
        %ge3A_320 = arith.cmpi sge, %add3A_234, %ge3A : i32
        %convert_element_type3A_321 = arith.extui %ge3A_320 : i1 to i32
        %cond3A_322 = arith.constant 0 : i32
        %cond3A_323 = arith.cmpi ne, %convert_element_type3A_321, %cond3A_322 : i32
        scf.if %cond3A_323 {
          %sub3A = arith.constant 1 : i32
          %sub3A_332 = arith.subi %add3A_234, %sub3A : i32
          %dma_wait3A_333 = arith.constant 0 : i32
          %dma_wait3A_334 = arith.constant 0 : i32
          %dma_wait3A_335 = arith.constant 0 : i32
          %dma_wait3A_336 = tpu.memref_slice %arg10[%dma_wait3A_334, %dma_wait3A_335] : memref<32x129xf32, #tpu.memory_space<vmem>> -> memref<8x128xf32, #tpu.memory_space<vmem>>
          %dma_wait3A_337 = arith.constant 0 : i32
          %dma_wait3A_338 = arith.constant 0 : i32
          %dma_wait3A_339 = tpu.memref_slice %arg5[%sub3A_332, %dma_wait3A_333, %add3A, %dma_wait3A_337, %dma_wait3A_338] : memref<200x4x32x8x128xf32, #tpu.memory_space<hbm>> -> memref<1x1x1x8x128xf32, #tpu.memory_space<hbm>>
          %dma_wait3A_340 = tpu.memref_squeeze %dma_wait3A_339 : memref<1x1x1x8x128xf32, #tpu.memory_space<hbm>> -> memref<8x128xf32, #tpu.memory_space<hbm>>
          %dma_wait3A_341 = arith.constant 0 : i32
          %dma_wait3A_342 = arith.constant 0 : i32
          %dma_wait3A_343 = tpu.memref_slice %arg5[%sub3A_332, %dma_wait3A_333, %add3A, %dma_wait3A_341, %dma_wait3A_342] : memref<200x4x32x8x128xf32, #tpu.memory_space<hbm>> -> memref<1x1x1x8x128xf32, #tpu.memory_space<hbm>>
          %dma_wait3A_344 = tpu.memref_squeeze %dma_wait3A_343 : memref<1x1x1x8x128xf32, #tpu.memory_space<hbm>> -> memref<8x128xf32, #tpu.memory_space<hbm>>
          %dma_wait3A_345 = arith.constant 0 : i32
          %dma_wait3A_346 = arith.constant 0 : i32
          %dma_wait3A_347 = tpu.memref_slice %arg10[%dma_wait3A_345, %dma_wait3A_346] : memref<32x129xf32, #tpu.memory_space<vmem>> -> memref<8x128xf32, #tpu.memory_space<vmem>>
          tpu.wait_dma2 semaphore(%arg14 : memref<!tpu.dma_semaphore, #tpu.memory_space<semaphore_mem>>) src(%dma_wait3A_347 : memref<8x128xf32, #tpu.memory_space<vmem>>) dst(%dma_wait3A_344 : memref<8x128xf32, #tpu.memory_space<hbm>>)
          %dma_wait3A_348 = arith.constant 1 : i32
          %dma_wait3A_349 = arith.constant 8 : i32
          %dma_wait3A_350 = arith.constant 0 : i32
          %dma_wait3A_351 = tpu.memref_slice %arg10[%dma_wait3A_349, %dma_wait3A_350] : memref<32x129xf32, #tpu.memory_space<vmem>> -> memref<8x128xf32, #tpu.memory_space<vmem>>
          %dma_wait3A_352 = arith.constant 0 : i32
          %dma_wait3A_353 = arith.constant 0 : i32
          %dma_wait3A_354 = tpu.memref_slice %arg5[%sub3A_332, %dma_wait3A_348, %add3A, %dma_wait3A_352, %dma_wait3A_353] : memref<200x4x32x8x128xf32, #tpu.memory_space<hbm>> -> memref<1x1x1x8x128xf32, #tpu.memory_space<hbm>>
          %dma_wait3A_355 = tpu.memref_squeeze %dma_wait3A_354 : memref<1x1x1x8x128xf32, #tpu.memory_space<hbm>> -> memref<8x128xf32, #tpu.memory_space<hbm>>
          %dma_wait3A_356 = arith.constant 0 : i32
          %dma_wait3A_357 = arith.constant 0 : i32
          %dma_wait3A_358 = tpu.memref_slice %arg5[%sub3A_332, %dma_wait3A_348, %add3A, %dma_wait3A_356, %dma_wait3A_357] : memref<200x4x32x8x128xf32, #tpu.memory_space<hbm>> -> memref<1x1x1x8x128xf32, #tpu.memory_space<hbm>>
          %dma_wait3A_359 = tpu.memref_squeeze %dma_wait3A_358 : memref<1x1x1x8x128xf32, #tpu.memory_space<hbm>> -> memref<8x128xf32, #tpu.memory_space<hbm>>
          %dma_wait3A_360 = arith.constant 8 : i32
          %dma_wait3A_361 = arith.constant 0 : i32
          %dma_wait3A_362 = tpu.memref_slice %arg10[%dma_wait3A_360, %dma_wait3A_361] : memref<32x129xf32, #tpu.memory_space<vmem>> -> memref<8x128xf32, #tpu.memory_space<vmem>>
          tpu.wait_dma2 semaphore(%arg14 : memref<!tpu.dma_semaphore, #tpu.memory_space<semaphore_mem>>) src(%dma_wait3A_362 : memref<8x128xf32, #tpu.memory_space<vmem>>) dst(%dma_wait3A_359 : memref<8x128xf32, #tpu.memory_space<hbm>>)
          %dma_wait3A_363 = arith.constant 2 : i32
          %dma_wait3A_364 = arith.constant 16 : i32
          %dma_wait3A_365 = arith.constant 0 : i32
          %dma_wait3A_366 = tpu.memref_slice %arg10[%dma_wait3A_364, %dma_wait3A_365] : memref<32x129xf32, #tpu.memory_space<vmem>> -> memref<8x128xf32, #tpu.memory_space<vmem>>
          %dma_wait3A_367 = arith.constant 0 : i32
          %dma_wait3A_368 = arith.constant 0 : i32
          %dma_wait3A_369 = tpu.memref_slice %arg5[%sub3A_332, %dma_wait3A_363, %add3A, %dma_wait3A_367, %dma_wait3A_368] : memref<200x4x32x8x128xf32, #tpu.memory_space<hbm>> -> memref<1x1x1x8x128xf32, #tpu.memory_space<hbm>>
          %dma_wait3A_370 = tpu.memref_squeeze %dma_wait3A_369 : memref<1x1x1x8x128xf32, #tpu.memory_space<hbm>> -> memref<8x128xf32, #tpu.memory_space<hbm>>
          %dma_wait3A_371 = arith.constant 0 : i32
          %dma_wait3A_372 = arith.constant 0 : i32
          %dma_wait3A_373 = tpu.memref_slice %arg5[%sub3A_332, %dma_wait3A_363, %add3A, %dma_wait3A_371, %dma_wait3A_372] : memref<200x4x32x8x128xf32, #tpu.memory_space<hbm>> -> memref<1x1x1x8x128xf32, #tpu.memory_space<hbm>>
          %dma_wait3A_374 = tpu.memref_squeeze %dma_wait3A_373 : memref<1x1x1x8x128xf32, #tpu.memory_space<hbm>> -> memref<8x128xf32, #tpu.memory_space<hbm>>
          %dma_wait3A_375 = arith.constant 16 : i32
          %dma_wait3A_376 = arith.constant 0 : i32
          %dma_wait3A_377 = tpu.memref_slice %arg10[%dma_wait3A_375, %dma_wait3A_376] : memref<32x129xf32, #tpu.memory_space<vmem>> -> memref<8x128xf32, #tpu.memory_space<vmem>>
          tpu.wait_dma2 semaphore(%arg14 : memref<!tpu.dma_semaphore, #tpu.memory_space<semaphore_mem>>) src(%dma_wait3A_377 : memref<8x128xf32, #tpu.memory_space<vmem>>) dst(%dma_wait3A_374 : memref<8x128xf32, #tpu.memory_space<hbm>>)
          %dma_wait3A_378 = arith.constant 3 : i32
          %dma_wait3A_379 = arith.constant 24 : i32
          %dma_wait3A_380 = arith.constant 0 : i32
          %dma_wait3A_381 = tpu.memref_slice %arg10[%dma_wait3A_379, %dma_wait3A_380] : memref<32x129xf32, #tpu.memory_space<vmem>> -> memref<8x128xf32, #tpu.memory_space<vmem>>
          %dma_wait3A_382 = arith.constant 0 : i32
          %dma_wait3A_383 = arith.constant 0 : i32
          %dma_wait3A_384 = tpu.memref_slice %arg5[%sub3A_332, %dma_wait3A_378, %add3A, %dma_wait3A_382, %dma_wait3A_383] : memref<200x4x32x8x128xf32, #tpu.memory_space<hbm>> -> memref<1x1x1x8x128xf32, #tpu.memory_space<hbm>>
          %dma_wait3A_385 = tpu.memref_squeeze %dma_wait3A_384 : memref<1x1x1x8x128xf32, #tpu.memory_space<hbm>> -> memref<8x128xf32, #tpu.memory_space<hbm>>
          %dma_wait3A_386 = arith.constant 0 : i32
          %dma_wait3A_387 = arith.constant 0 : i32
          %dma_wait3A_388 = tpu.memref_slice %arg5[%sub3A_332, %dma_wait3A_378, %add3A, %dma_wait3A_386, %dma_wait3A_387] : memref<200x4x32x8x128xf32, #tpu.memory_space<hbm>> -> memref<1x1x1x8x128xf32, #tpu.memory_space<hbm>>
          %dma_wait3A_389 = tpu.memref_squeeze %dma_wait3A_388 : memref<1x1x1x8x128xf32, #tpu.memory_space<hbm>> -> memref<8x128xf32, #tpu.memory_space<hbm>>
          %dma_wait3A_390 = arith.constant 24 : i32
          %dma_wait3A_391 = arith.constant 0 : i32
          %dma_wait3A_392 = tpu.memref_slice %arg10[%dma_wait3A_390, %dma_wait3A_391] : memref<32x129xf32, #tpu.memory_space<vmem>> -> memref<8x128xf32, #tpu.memory_space<vmem>>
          tpu.wait_dma2 semaphore(%arg14 : memref<!tpu.dma_semaphore, #tpu.memory_space<semaphore_mem>>) src(%dma_wait3A_392 : memref<8x128xf32, #tpu.memory_space<vmem>>) dst(%dma_wait3A_389 : memref<8x128xf32, #tpu.memory_space<hbm>>)
        } else {
        }
        %add3A_324 = arith.constant 1 : i32
        %add3A_325 = arith.addi %add3A_234, %add3A_324 : i32
        %dma_start3A_326 = arith.constant 0 : i32
        %dma_start3A_327 = tpu.memref_slice %arg6[%add3A_325, %dma_start3A_326] : memref<200x128xi32, #tpu.memory_space<vmem>> -> memref<1x128xi32, #tpu.memory_space<vmem>>
        %dma_start3A_328 = tpu.memref_squeeze %dma_start3A_327 : memref<1x128xi32, #tpu.memory_space<vmem>> -> memref<128xi32, #tpu.memory_space<vmem>>
        %dma_start3A_329 = arith.constant 0 : i32
        %dma_start3A_330 = arith.constant 0 : i32
        %dma_start3A_331 = tpu.memref_slice %arg3[%dma_start3A_329, %dma_start3A_330] : memref<1015808x32xf32, #tpu.memory_space<hbm>> -> memref<1015808x32xf32, #tpu.memory_space<hbm>>
        tpu.enqueue_indirect_dma source(%dma_start3A_331 : memref<1015808x32xf32, #tpu.memory_space<hbm>>) target(%arg8 : memref<128x32xf32, #tpu.memory_space<vmem>>) offsets(%dma_start3A_328 : memref<128xi32, #tpu.memory_space<vmem>>) semaphore(%arg12 : memref<!tpu.dma_semaphore, #tpu.memory_space<semaphore_mem>>)
      } else {
      }
      %dma_wait3A_242 = arith.constant 0 : i32
      %dma_wait3A_243 = tpu.memref_slice %arg6[%add3A_234, %dma_wait3A_242] : memref<200x128xi32, #tpu.memory_space<vmem>> -> memref<1x128xi32, #tpu.memory_space<vmem>>
      %dma_wait3A_244 = tpu.memref_squeeze %dma_wait3A_243 : memref<1x128xi32, #tpu.memory_space<vmem>> -> memref<128xi32, #tpu.memory_space<vmem>>
      %dma_wait3A_245 = arith.constant 0 : i32
      %dma_wait3A_246 = arith.constant 0 : i32
      %dma_wait3A_247 = tpu.memref_slice %arg3[%dma_wait3A_245, %dma_wait3A_246] : memref<1015808x32xf32, #tpu.memory_space<hbm>> -> memref<1015808x32xf32, #tpu.memory_space<hbm>>
      tpu.wait_indirect_dma semaphore(%arg13 : memref<!tpu.dma_semaphore, #tpu.memory_space<semaphore_mem>>) src(%dma_wait3A_247 : memref<1015808x32xf32, #tpu.memory_space<hbm>>) dst(%arg9 : memref<128x32xf32, #tpu.memory_space<vmem>>)
      %broadcast_in_dim3A_248 = vector.broadcast %add3A_234 : i32 to vector<16xi32>
      %add3A_249 = arith.constant 0 : i32
      %add3A_250 = vector.broadcast %add3A_249 : i32 to vector<16xi32>
      %add3A_251 = arith.addi %iota3A, %add3A_250 : vector<16xi32>
      %gather3A_252 = tpu.vector_load_idx %arg7[%add3A_251, %broadcast_in_dim3A_248] : memref<32x201xf32, #tpu.memory_space<vmem>>[vector<16xi32>, vector<16xi32>], vector<16xf32>,
      %add3A_253 = arith.constant 16 : i32
      %add3A_254 = vector.broadcast %add3A_253 : i32 to vector<16xi32>
      %add3A_255 = arith.addi %iota3A, %add3A_254 : vector<16xi32>
      %gather3A_256 = tpu.vector_load_idx %arg7[%add3A_255, %broadcast_in_dim3A_248] : memref<32x201xf32, #tpu.memory_space<vmem>>[vector<16xi32>, vector<16xi32>], vector<16xf32>,
      %parallel_loop3A_257 = arith.constant 0 : i32
      %parallel_loop3A_258 = arith.constant 128 : i32
      %parallel_loop3A_259 = arith.constant 1 : i32
      scf.for %parallel_loop3A_320 = %parallel_loop3A_257 to %parallel_loop3A_258 step %parallel_loop3A_259  : i32 {
        %parallel_loop3A_321 = vector.broadcast %parallel_loop3A_320 : i32 to vector<16xi32>
        %parallel_loop3A_322 = arith.constant 0 : i32
        %parallel_loop3A_323 = vector.broadcast %parallel_loop3A_322 : i32 to vector<16xi32>
        %parallel_loop3A_324 = arith.addi %iota3A, %parallel_loop3A_323 : vector<16xi32>
        %parallel_loop3A_325 = arith.index_cast %parallel_loop3A_320 : i32 to index
        %parallel_loop3A_326 = arith.constant 0 : index
        %parallel_loop3A_327 = tpu.vector_load %arg9[%parallel_loop3A_325, %parallel_loop3A_326] {strides = array<i32>} : memref<128x32xf32, #tpu.memory_space<vmem>>, vector<16xf32>,
        %parallel_loop3A_328 = arith.addf %parallel_loop3A_327, %gather3A_252 : vector<16xf32>
        tpu.vector_store_idx %arg11[%parallel_loop3A_324, %parallel_loop3A_321], %parallel_loop3A_328 : memref<32x129xf32, #tpu.memory_space<vmem>>[vector<16xi32>, vector<16xi32>], vector<16xf32>,
        %parallel_loop3A_329 = arith.constant 16 : i32
        %parallel_loop3A_330 = vector.broadcast %parallel_loop3A_329 : i32 to vector<16xi32>
        %parallel_loop3A_331 = arith.addi %iota3A, %parallel_loop3A_330 : vector<16xi32>
        %parallel_loop3A_332 = arith.index_cast %parallel_loop3A_320 : i32 to index
        %parallel_loop3A_333 = arith.constant 16 : index
        %parallel_loop3A_334 = tpu.vector_load %arg9[%parallel_loop3A_332, %parallel_loop3A_333] {strides = array<i32>} : memref<128x32xf32, #tpu.memory_space<vmem>>, vector<16xf32>,
        %parallel_loop3A_335 = arith.addf %parallel_loop3A_334, %gather3A_256 : vector<16xf32>
        tpu.vector_store_idx %arg11[%parallel_loop3A_331, %parallel_loop3A_321], %parallel_loop3A_335 : memref<32x129xf32, #tpu.memory_space<vmem>>[vector<16xi32>, vector<16xi32>], vector<16xf32>,
      } {sc.loop_unroll_factor = 8 : i64, sc.parallel_access}
      %dma_start3A_260 = arith.constant 0 : i32
      %dma_start3A_261 = arith.constant 0 : i32
      %dma_start3A_262 = arith.constant 0 : i32
      %dma_start3A_263 = tpu.memref_slice %arg11[%dma_start3A_261, %dma_start3A_262] : memref<32x129xf32, #tpu.memory_space<vmem>> -> memref<8x128xf32, #tpu.memory_space<vmem>>
      %dma_start3A_264 = arith.constant 0 : i32
      %dma_start3A_265 = arith.constant 0 : i32
      %dma_start3A_266 = tpu.memref_slice %arg5[%add3A_234, %dma_start3A_260, %add3A, %dma_start3A_264, %dma_start3A_265] : memref<200x4x32x8x128xf32, #tpu.memory_space<hbm>> -> memref<1x1x1x8x128xf32, #tpu.memory_space<hbm>>
      %dma_start3A_267 = tpu.memref_squeeze %dma_start3A_266 : memref<1x1x1x8x128xf32, #tpu.memory_space<hbm>> -> memref<8x128xf32, #tpu.memory_space<hbm>>
      %dma_start3A_268 = arith.constant 0 : i32
      %dma_start3A_269 = arith.constant 0 : i32
      %dma_start3A_270 = tpu.memref_slice %arg5[%add3A_234, %dma_start3A_260, %add3A, %dma_start3A_268, %dma_start3A_269] : memref<200x4x32x8x128xf32, #tpu.memory_space<hbm>> -> memref<1x1x1x8x128xf32, #tpu.memory_space<hbm>>
      %dma_start3A_271 = tpu.memref_squeeze %dma_start3A_270 : memref<1x1x1x8x128xf32, #tpu.memory_space<hbm>> -> memref<8x128xf32, #tpu.memory_space<hbm>>
      %dma_start3A_272 = arith.constant 0 : i32
      %dma_start3A_273 = arith.constant 0 : i32
      %dma_start3A_274 = tpu.memref_slice %arg11[%dma_start3A_272, %dma_start3A_273] : memref<32x129xf32, #tpu.memory_space<vmem>> -> memref<8x128xf32, #tpu.memory_space<vmem>>
      tpu.enqueue_dma source(%dma_start3A_274 : memref<8x128xf32, #tpu.memory_space<vmem>>) target(%dma_start3A_271 : memref<8x128xf32, #tpu.memory_space<hbm>>) target_semaphore(%arg15 : memref<!tpu.dma_semaphore, #tpu.memory_space<semaphore_mem>>)
      %dma_start3A_275 = arith.constant 1 : i32
      %dma_start3A_276 = arith.constant 8 : i32
      %dma_start3A_277 = arith.constant 0 : i32
      %dma_start3A_278 = tpu.memref_slice %arg11[%dma_start3A_276, %dma_start3A_277] : memref<32x129xf32, #tpu.memory_space<vmem>> -> memref<8x128xf32, #tpu.memory_space<vmem>>
      %dma_start3A_279 = arith.constant 0 : i32
      %dma_start3A_280 = arith.constant 0 : i32
      %dma_start3A_281 = tpu.memref_slice %arg5[%add3A_234, %dma_start3A_275, %add3A, %dma_start3A_279, %dma_start3A_280] : memref<200x4x32x8x128xf32, #tpu.memory_space<hbm>> -> memref<1x1x1x8x128xf32, #tpu.memory_space<hbm>>
      %dma_start3A_282 = tpu.memref_squeeze %dma_start3A_281 : memref<1x1x1x8x128xf32, #tpu.memory_space<hbm>> -> memref<8x128xf32, #tpu.memory_space<hbm>>
      %dma_start3A_283 = arith.constant 0 : i32
      %dma_start3A_284 = arith.constant 0 : i32
      %dma_start3A_285 = tpu.memref_slice %arg5[%add3A_234, %dma_start3A_275, %add3A, %dma_start3A_283, %dma_start3A_284] : memref<200x4x32x8x128xf32, #tpu.memory_space<hbm>> -> memref<1x1x1x8x128xf32, #tpu.memory_space<hbm>>
      %dma_start3A_286 = tpu.memref_squeeze %dma_start3A_285 : memref<1x1x1x8x128xf32, #tpu.memory_space<hbm>> -> memref<8x128xf32, #tpu.memory_space<hbm>>
      %dma_start3A_287 = arith.constant 8 : i32
      %dma_start3A_288 = arith.constant 0 : i32
      %dma_start3A_289 = tpu.memref_slice %arg11[%dma_start3A_287, %dma_start3A_288] : memref<32x129xf32, #tpu.memory_space<vmem>> -> memref<8x128xf32, #tpu.memory_space<vmem>>
      tpu.enqueue_dma source(%dma_start3A_289 : memref<8x128xf32, #tpu.memory_space<vmem>>) target(%dma_start3A_286 : memref<8x128xf32, #tpu.memory_space<hbm>>) target_semaphore(%arg15 : memref<!tpu.dma_semaphore, #tpu.memory_space<semaphore_mem>>)
      %dma_start3A_290 = arith.constant 2 : i32
      %dma_start3A_291 = arith.constant 16 : i32
      %dma_start3A_292 = arith.constant 0 : i32
      %dma_start3A_293 = tpu.memref_slice %arg11[%dma_start3A_291, %dma_start3A_292] : memref<32x129xf32, #tpu.memory_space<vmem>> -> memref<8x128xf32, #tpu.memory_space<vmem>>
      %dma_start3A_294 = arith.constant 0 : i32
      %dma_start3A_295 = arith.constant 0 : i32
      %dma_start3A_296 = tpu.memref_slice %arg5[%add3A_234, %dma_start3A_290, %add3A, %dma_start3A_294, %dma_start3A_295] : memref<200x4x32x8x128xf32, #tpu.memory_space<hbm>> -> memref<1x1x1x8x128xf32, #tpu.memory_space<hbm>>
      %dma_start3A_297 = tpu.memref_squeeze %dma_start3A_296 : memref<1x1x1x8x128xf32, #tpu.memory_space<hbm>> -> memref<8x128xf32, #tpu.memory_space<hbm>>
      %dma_start3A_298 = arith.constant 0 : i32
      %dma_start3A_299 = arith.constant 0 : i32
      %dma_start3A_300 = tpu.memref_slice %arg5[%add3A_234, %dma_start3A_290, %add3A, %dma_start3A_298, %dma_start3A_299] : memref<200x4x32x8x128xf32, #tpu.memory_space<hbm>> -> memref<1x1x1x8x128xf32, #tpu.memory_space<hbm>>
      %dma_start3A_301 = tpu.memref_squeeze %dma_start3A_300 : memref<1x1x1x8x128xf32, #tpu.memory_space<hbm>> -> memref<8x128xf32, #tpu.memory_space<hbm>>
      %dma_start3A_302 = arith.constant 16 : i32
      %dma_start3A_303 = arith.constant 0 : i32
      %dma_start3A_304 = tpu.memref_slice %arg11[%dma_start3A_302, %dma_start3A_303] : memref<32x129xf32, #tpu.memory_space<vmem>> -> memref<8x128xf32, #tpu.memory_space<vmem>>
      tpu.enqueue_dma source(%dma_start3A_304 : memref<8x128xf32, #tpu.memory_space<vmem>>) target(%dma_start3A_301 : memref<8x128xf32, #tpu.memory_space<hbm>>) target_semaphore(%arg15 : memref<!tpu.dma_semaphore, #tpu.memory_space<semaphore_mem>>)
      %dma_start3A_305 = arith.constant 3 : i32
      %dma_start3A_306 = arith.constant 24 : i32
      %dma_start3A_307 = arith.constant 0 : i32
      %dma_start3A_308 = tpu.memref_slice %arg11[%dma_start3A_306, %dma_start3A_307] : memref<32x129xf32, #tpu.memory_space<vmem>> -> memref<8x128xf32, #tpu.memory_space<vmem>>
      %dma_start3A_309 = arith.constant 0 : i32
      %dma_start3A_310 = arith.constant 0 : i32
      %dma_start3A_311 = tpu.memref_slice %arg5[%add3A_234, %dma_start3A_305, %add3A, %dma_start3A_309, %dma_start3A_310] : memref<200x4x32x8x128xf32, #tpu.memory_space<hbm>> -> memref<1x1x1x8x128xf32, #tpu.memory_space<hbm>>
      %dma_start3A_312 = tpu.memref_squeeze %dma_start3A_311 : memref<1x1x1x8x128xf32, #tpu.memory_space<hbm>> -> memref<8x128xf32, #tpu.memory_space<hbm>>
      %dma_start3A_313 = arith.constant 0 : i32
      %dma_start3A_314 = arith.constant 0 : i32
      %dma_start3A_315 = tpu.memref_slice %arg5[%add3A_234, %dma_start3A_305, %add3A, %dma_start3A_313, %dma_start3A_314] : memref<200x4x32x8x128xf32, #tpu.memory_space<hbm>> -> memref<1x1x1x8x128xf32, #tpu.memory_space<hbm>>
      %dma_start3A_316 = tpu.memref_squeeze %dma_start3A_315 : memref<1x1x1x8x128xf32, #tpu.memory_space<hbm>> -> memref<8x128xf32, #tpu.memory_space<hbm>>
      %dma_start3A_317 = arith.constant 24 : i32
      %dma_start3A_318 = arith.constant 0 : i32
      %dma_start3A_319 = tpu.memref_slice %arg11[%dma_start3A_317, %dma_start3A_318] : memref<32x129xf32, #tpu.memory_space<vmem>> -> memref<8x128xf32, #tpu.memory_space<vmem>>
      tpu.enqueue_dma source(%dma_start3A_319 : memref<8x128xf32, #tpu.memory_space<vmem>>) target(%dma_start3A_316 : memref<8x128xf32, #tpu.memory_space<hbm>>) target_semaphore(%arg15 : memref<!tpu.dma_semaphore, #tpu.memory_space<semaphore_mem>>)
    }
    %scan3A_19 = arith.constant 100 : i32
    %dma_wait3A = arith.constant 198 : i32
    %dma_wait3A_20 = arith.constant 0 : i32
    %dma_wait3A_21 = arith.constant 0 : i32
    %dma_wait3A_22 = arith.constant 0 : i32
    %dma_wait3A_23 = tpu.memref_slice %arg10[%dma_wait3A_21, %dma_wait3A_22] : memref<32x129xf32, #tpu.memory_space<vmem>> -> memref<8x128xf32, #tpu.memory_space<vmem>>
    %dma_wait3A_24 = arith.constant 0 : i32
    %dma_wait3A_25 = arith.constant 0 : i32
    %dma_wait3A_26 = tpu.memref_slice %arg5[%dma_wait3A, %dma_wait3A_20, %add3A, %dma_wait3A_24, %dma_wait3A_25] : memref<200x4x32x8x128xf32, #tpu.memory_space<hbm>> -> memref<1x1x1x8x128xf32, #tpu.memory_space<hbm>>
    %dma_wait3A_27 = tpu.memref_squeeze %dma_wait3A_26 : memref<1x1x1x8x128xf32, #tpu.memory_space<hbm>> -> memref<8x128xf32, #tpu.memory_space<hbm>>
    %dma_wait3A_28 = arith.constant 0 : i32
    %dma_wait3A_29 = arith.constant 0 : i32
    %dma_wait3A_30 = tpu.memref_slice %arg5[%dma_wait3A, %dma_wait3A_20, %add3A, %dma_wait3A_28, %dma_wait3A_29] : memref<200x4x32x8x128xf32, #tpu.memory_space<hbm>> -> memref<1x1x1x8x128xf32, #tpu.memory_space<hbm>>
    %dma_wait3A_31 = tpu.memref_squeeze %dma_wait3A_30 : memref<1x1x1x8x128xf32, #tpu.memory_space<hbm>> -> memref<8x128xf32, #tpu.memory_space<hbm>>
    %dma_wait3A_32 = arith.constant 0 : i32
    %dma_wait3A_33 = arith.constant 0 : i32
    %dma_wait3A_34 = tpu.memref_slice %arg10[%dma_wait3A_32, %dma_wait3A_33] : memref<32x129xf32, #tpu.memory_space<vmem>> -> memref<8x128xf32, #tpu.memory_space<vmem>>
    tpu.wait_dma2 semaphore(%arg14 : memref<!tpu.dma_semaphore, #tpu.memory_space<semaphore_mem>>) src(%dma_wait3A_34 : memref<8x128xf32, #tpu.memory_space<vmem>>) dst(%dma_wait3A_31 : memref<8x128xf32, #tpu.memory_space<hbm>>)
    %dma_wait3A_35 = arith.constant 198 : i32
    %dma_wait3A_36 = arith.constant 1 : i32
    %dma_wait3A_37 = arith.constant 8 : i32
    %dma_wait3A_38 = arith.constant 0 : i32
    %dma_wait3A_39 = tpu.memref_slice %arg10[%dma_wait3A_37, %dma_wait3A_38] : memref<32x129xf32, #tpu.memory_space<vmem>> -> memref<8x128xf32, #tpu.memory_space<vmem>>
    %dma_wait3A_40 = arith.constant 0 : i32
    %dma_wait3A_41 = arith.constant 0 : i32
    %dma_wait3A_42 = tpu.memref_slice %arg5[%dma_wait3A_35, %dma_wait3A_36, %add3A, %dma_wait3A_40, %dma_wait3A_41] : memref<200x4x32x8x128xf32, #tpu.memory_space<hbm>> -> memref<1x1x1x8x128xf32, #tpu.memory_space<hbm>>
    %dma_wait3A_43 = tpu.memref_squeeze %dma_wait3A_42 : memref<1x1x1x8x128xf32, #tpu.memory_space<hbm>> -> memref<8x128xf32, #tpu.memory_space<hbm>>
    %dma_wait3A_44 = arith.constant 0 : i32
    %dma_wait3A_45 = arith.constant 0 : i32
    %dma_wait3A_46 = tpu.memref_slice %arg5[%dma_wait3A_35, %dma_wait3A_36, %add3A, %dma_wait3A_44, %dma_wait3A_45] : memref<200x4x32x8x128xf32, #tpu.memory_space<hbm>> -> memref<1x1x1x8x128xf32, #tpu.memory_space<hbm>>
    %dma_wait3A_47 = tpu.memref_squeeze %dma_wait3A_46 : memref<1x1x1x8x128xf32, #tpu.memory_space<hbm>> -> memref<8x128xf32, #tpu.memory_space<hbm>>
    %dma_wait3A_48 = arith.constant 8 : i32
    %dma_wait3A_49 = arith.constant 0 : i32
    %dma_wait3A_50 = tpu.memref_slice %arg10[%dma_wait3A_48, %dma_wait3A_49] : memref<32x129xf32, #tpu.memory_space<vmem>> -> memref<8x128xf32, #tpu.memory_space<vmem>>
    tpu.wait_dma2 semaphore(%arg14 : memref<!tpu.dma_semaphore, #tpu.memory_space<semaphore_mem>>) src(%dma_wait3A_50 : memref<8x128xf32, #tpu.memory_space<vmem>>) dst(%dma_wait3A_47 : memref<8x128xf32, #tpu.memory_space<hbm>>)
    %dma_wait3A_51 = arith.constant 198 : i32
    %dma_wait3A_52 = arith.constant 2 : i32
    %dma_wait3A_53 = arith.constant 16 : i32
    %dma_wait3A_54 = arith.constant 0 : i32
    %dma_wait3A_55 = tpu.memref_slice %arg10[%dma_wait3A_53, %dma_wait3A_54] : memref<32x129xf32, #tpu.memory_space<vmem>> -> memref<8x128xf32, #tpu.memory_space<vmem>>
    %dma_wait3A_56 = arith.constant 0 : i32
    %dma_wait3A_57 = arith.constant 0 : i32
    %dma_wait3A_58 = tpu.memref_slice %arg5[%dma_wait3A_51, %dma_wait3A_52, %add3A, %dma_wait3A_56, %dma_wait3A_57] : memref<200x4x32x8x128xf32, #tpu.memory_space<hbm>> -> memref<1x1x1x8x128xf32, #tpu.memory_space<hbm>>
    %dma_wait3A_59 = tpu.memref_squeeze %dma_wait3A_58 : memref<1x1x1x8x128xf32, #tpu.memory_space<hbm>> -> memref<8x128xf32, #tpu.memory_space<hbm>>
    %dma_wait3A_60 = arith.constant 0 : i32
    %dma_wait3A_61 = arith.constant 0 : i32
    %dma_wait3A_62 = tpu.memref_slice %arg5[%dma_wait3A_51, %dma_wait3A_52, %add3A, %dma_wait3A_60, %dma_wait3A_61] : memref<200x4x32x8x128xf32, #tpu.memory_space<hbm>> -> memref<1x1x1x8x128xf32, #tpu.memory_space<hbm>>
    %dma_wait3A_63 = tpu.memref_squeeze %dma_wait3A_62 : memref<1x1x1x8x128xf32, #tpu.memory_space<hbm>> -> memref<8x128xf32, #tpu.memory_space<hbm>>
    %dma_wait3A_64 = arith.constant 16 : i32
    %dma_wait3A_65 = arith.constant 0 : i32
    %dma_wait3A_66 = tpu.memref_slice %arg10[%dma_wait3A_64, %dma_wait3A_65] : memref<32x129xf32, #tpu.memory_space<vmem>> -> memref<8x128xf32, #tpu.memory_space<vmem>>
    tpu.wait_dma2 semaphore(%arg14 : memref<!tpu.dma_semaphore, #tpu.memory_space<semaphore_mem>>) src(%dma_wait3A_66 : memref<8x128xf32, #tpu.memory_space<vmem>>) dst(%dma_wait3A_63 : memref<8x128xf32, #tpu.memory_space<hbm>>)
    %dma_wait3A_67 = arith.constant 198 : i32
    %dma_wait3A_68 = arith.constant 3 : i32
    %dma_wait3A_69 = arith.constant 24 : i32
    %dma_wait3A_70 = arith.constant 0 : i32
    %dma_wait3A_71 = tpu.memref_slice %arg10[%dma_wait3A_69, %dma_wait3A_70] : memref<32x129xf32, #tpu.memory_space<vmem>> -> memref<8x128xf32, #tpu.memory_space<vmem>>
    %dma_wait3A_72 = arith.constant 0 : i32
    %dma_wait3A_73 = arith.constant 0 : i32
    %dma_wait3A_74 = tpu.memref_slice %arg5[%dma_wait3A_67, %dma_wait3A_68, %add3A, %dma_wait3A_72, %dma_wait3A_73] : memref<200x4x32x8x128xf32, #tpu.memory_space<hbm>> -> memref<1x1x1x8x128xf32, #tpu.memory_space<hbm>>
    %dma_wait3A_75 = tpu.memref_squeeze %dma_wait3A_74 : memref<1x1x1x8x128xf32, #tpu.memory_space<hbm>> -> memref<8x128xf32, #tpu.memory_space<hbm>>
    %dma_wait3A_76 = arith.constant 0 : i32
    %dma_wait3A_77 = arith.constant 0 : i32
    %dma_wait3A_78 = tpu.memref_slice %arg5[%dma_wait3A_67, %dma_wait3A_68, %add3A, %dma_wait3A_76, %dma_wait3A_77] : memref<200x4x32x8x128xf32, #tpu.memory_space<hbm>> -> memref<1x1x1x8x128xf32, #tpu.memory_space<hbm>>
    %dma_wait3A_79 = tpu.memref_squeeze %dma_wait3A_78 : memref<1x1x1x8x128xf32, #tpu.memory_space<hbm>> -> memref<8x128xf32, #tpu.memory_space<hbm>>
    %dma_wait3A_80 = arith.constant 24 : i32
    %dma_wait3A_81 = arith.constant 0 : i32
    %dma_wait3A_82 = tpu.memref_slice %arg10[%dma_wait3A_80, %dma_wait3A_81] : memref<32x129xf32, #tpu.memory_space<vmem>> -> memref<8x128xf32, #tpu.memory_space<vmem>>
    tpu.wait_dma2 semaphore(%arg14 : memref<!tpu.dma_semaphore, #tpu.memory_space<semaphore_mem>>) src(%dma_wait3A_82 : memref<8x128xf32, #tpu.memory_space<vmem>>) dst(%dma_wait3A_79 : memref<8x128xf32, #tpu.memory_space<hbm>>)
    %dma_wait3A_83 = arith.constant 199 : i32
    %dma_wait3A_84 = arith.constant 0 : i32
    %dma_wait3A_85 = arith.constant 0 : i32
    %dma_wait3A_86 = arith.constant 0 : i32
    %dma_wait3A_87 = tpu.memref_slice %arg11[%dma_wait3A_85, %dma_wait3A_86] : memref<32x129xf32, #tpu.memory_space<vmem>> -> memref<8x128xf32, #tpu.memory_space<vmem>>
    %dma_wait3A_88 = arith.constant 0 : i32
    %dma_wait3A_89 = arith.constant 0 : i32
    %dma_wait3A_90 = tpu.memref_slice %arg5[%dma_wait3A_83, %dma_wait3A_84, %add3A, %dma_wait3A_88, %dma_wait3A_89] : memref<200x4x32x8x128xf32, #tpu.memory_space<hbm>> -> memref<1x1x1x8x128xf32, #tpu.memory_space<hbm>>
    %dma_wait3A_91 = tpu.memref_squeeze %dma_wait3A_90 : memref<1x1x1x8x128xf32, #tpu.memory_space<hbm>> -> memref<8x128xf32, #tpu.memory_space<hbm>>
    %dma_wait3A_92 = arith.constant 0 : i32
    %dma_wait3A_93 = arith.constant 0 : i32
    %dma_wait3A_94 = tpu.memref_slice %arg5[%dma_wait3A_83, %dma_wait3A_84, %add3A, %dma_wait3A_92, %dma_wait3A_93] : memref<200x4x32x8x128xf32, #tpu.memory_space<hbm>> -> memref<1x1x1x8x128xf32, #tpu.memory_space<hbm>>
    %dma_wait3A_95 = tpu.memref_squeeze %dma_wait3A_94 : memref<1x1x1x8x128xf32, #tpu.memory_space<hbm>> -> memref<8x128xf32, #tpu.memory_space<hbm>>
    %dma_wait3A_96 = arith.constant 0 : i32
    %dma_wait3A_97 = arith.constant 0 : i32
    %dma_wait3A_98 = tpu.memref_slice %arg11[%dma_wait3A_96, %dma_wait3A_97] : memref<32x129xf32, #tpu.memory_space<vmem>> -> memref<8x128xf32, #tpu.memory_space<vmem>>
    tpu.wait_dma2 semaphore(%arg15 : memref<!tpu.dma_semaphore, #tpu.memory_space<semaphore_mem>>) src(%dma_wait3A_98 : memref<8x128xf32, #tpu.memory_space<vmem>>) dst(%dma_wait3A_95 : memref<8x128xf32, #tpu.memory_space<hbm>>)
    %dma_wait3A_99 = arith.constant 199 : i32
    %dma_wait3A_100 = arith.constant 1 : i32
    %dma_wait3A_101 = arith.constant 8 : i32
    %dma_wait3A_102 = arith.constant 0 : i32
    %dma_wait3A_103 = tpu.memref_slice %arg11[%dma_wait3A_101, %dma_wait3A_102] : memref<32x129xf32, #tpu.memory_space<vmem>> -> memref<8x128xf32, #tpu.memory_space<vmem>>
    %dma_wait3A_104 = arith.constant 0 : i32
    %dma_wait3A_105 = arith.constant 0 : i32
    %dma_wait3A_106 = tpu.memref_slice %arg5[%dma_wait3A_99, %dma_wait3A_100, %add3A, %dma_wait3A_104, %dma_wait3A_105] : memref<200x4x32x8x128xf32, #tpu.memory_space<hbm>> -> memref<1x1x1x8x128xf32, #tpu.memory_space<hbm>>
    %dma_wait3A_107 = tpu.memref_squeeze %dma_wait3A_106 : memref<1x1x1x8x128xf32, #tpu.memory_space<hbm>> -> memref<8x128xf32, #tpu.memory_space<hbm>>
    %dma_wait3A_108 = arith.constant 0 : i32
    %dma_wait3A_109 = arith.constant 0 : i32
    %dma_wait3A_110 = tpu.memref_slice %arg5[%dma_wait3A_99, %dma_wait3A_100, %add3A, %dma_wait3A_108, %dma_wait3A_109] : memref<200x4x32x8x128xf32, #tpu.memory_space<hbm>> -> memref<1x1x1x8x128xf32, #tpu.memory_space<hbm>>
    %dma_wait3A_111 = tpu.memref_squeeze %dma_wait3A_110 : memref<1x1x1x8x128xf32, #tpu.memory_space<hbm>> -> memref<8x128xf32, #tpu.memory_space<hbm>>
    %dma_wait3A_112 = arith.constant 8 : i32
    %dma_wait3A_113 = arith.constant 0 : i32
    %dma_wait3A_114 = tpu.memref_slice %arg11[%dma_wait3A_112, %dma_wait3A_113] : memref<32x129xf32, #tpu.memory_space<vmem>> -> memref<8x128xf32, #tpu.memory_space<vmem>>
    tpu.wait_dma2 semaphore(%arg15 : memref<!tpu.dma_semaphore, #tpu.memory_space<semaphore_mem>>) src(%dma_wait3A_114 : memref<8x128xf32, #tpu.memory_space<vmem>>) dst(%dma_wait3A_111 : memref<8x128xf32, #tpu.memory_space<hbm>>)
    %dma_wait3A_115 = arith.constant 199 : i32
    %dma_wait3A_116 = arith.constant 2 : i32
    %dma_wait3A_117 = arith.constant 16 : i32
    %dma_wait3A_118 = arith.constant 0 : i32
    %dma_wait3A_119 = tpu.memref_slice %arg11[%dma_wait3A_117, %dma_wait3A_118] : memref<32x129xf32, #tpu.memory_space<vmem>> -> memref<8x128xf32, #tpu.memory_space<vmem>>
    %dma_wait3A_120 = arith.constant 0 : i32
    %dma_wait3A_121 = arith.constant 0 : i32
    %dma_wait3A_122 = tpu.memref_slice %arg5[%dma_wait3A_115, %dma_wait3A_116, %add3A, %dma_wait3A_120, %dma_wait3A_121] : memref<200x4x32x8x128xf32, #tpu.memory_space<hbm>> -> memref<1x1x1x8x128xf32, #tpu.memory_space<hbm>>
    %dma_wait3A_123 = tpu.memref_squeeze %dma_wait3A_122 : memref<1x1x1x8x128xf32, #tpu.memory_space<hbm>> -> memref<8x128xf32, #tpu.memory_space<hbm>>
    %dma_wait3A_124 = arith.constant 0 : i32
    %dma_wait3A_125 = arith.constant 0 : i32
    %dma_wait3A_126 = tpu.memref_slice %arg5[%dma_wait3A_115, %dma_wait3A_116, %add3A, %dma_wait3A_124, %dma_wait3A_125] : memref<200x4x32x8x128xf32, #tpu.memory_space<hbm>> -> memref<1x1x1x8x128xf32, #tpu.memory_space<hbm>>
    %dma_wait3A_127 = tpu.memref_squeeze %dma_wait3A_126 : memref<1x1x1x8x128xf32, #tpu.memory_space<hbm>> -> memref<8x128xf32, #tpu.memory_space<hbm>>
    %dma_wait3A_128 = arith.constant 16 : i32
    %dma_wait3A_129 = arith.constant 0 : i32
    %dma_wait3A_130 = tpu.memref_slice %arg11[%dma_wait3A_128, %dma_wait3A_129] : memref<32x129xf32, #tpu.memory_space<vmem>> -> memref<8x128xf32, #tpu.memory_space<vmem>>
    tpu.wait_dma2 semaphore(%arg15 : memref<!tpu.dma_semaphore, #tpu.memory_space<semaphore_mem>>) src(%dma_wait3A_130 : memref<8x128xf32, #tpu.memory_space<vmem>>) dst(%dma_wait3A_127 : memref<8x128xf32, #tpu.memory_space<hbm>>)
    %dma_wait3A_131 = arith.constant 199 : i32
    %dma_wait3A_132 = arith.constant 3 : i32
    %dma_wait3A_133 = arith.constant 24 : i32
    %dma_wait3A_134 = arith.constant 0 : i32
    %dma_wait3A_135 = tpu.memref_slice %arg11[%dma_wait3A_133, %dma_wait3A_134] : memref<32x129xf32, #tpu.memory_space<vmem>> -> memref<8x128xf32, #tpu.memory_space<vmem>>
    %dma_wait3A_136 = arith.constant 0 : i32
    %dma_wait3A_137 = arith.constant 0 : i32
    %dma_wait3A_138 = tpu.memref_slice %arg5[%dma_wait3A_131, %dma_wait3A_132, %add3A, %dma_wait3A_136, %dma_wait3A_137] : memref<200x4x32x8x128xf32, #tpu.memory_space<hbm>> -> memref<1x1x1x8x128xf32, #tpu.memory_space<hbm>>
    %dma_wait3A_139 = tpu.memref_squeeze %dma_wait3A_138 : memref<1x1x1x8x128xf32, #tpu.memory_space<hbm>> -> memref<8x128xf32, #tpu.memory_space<hbm>>
    %dma_wait3A_140 = arith.constant 0 : i32
    %dma_wait3A_141 = arith.constant 0 : i32
    %dma_wait3A_142 = tpu.memref_slice %arg5[%dma_wait3A_131, %dma_wait3A_132, %add3A, %dma_wait3A_140, %dma_wait3A_141] : memref<200x4x32x8x128xf32, #tpu.memory_space<hbm>> -> memref<1x1x1x8x128xf32, #tpu.memory_space<hbm>>
    %dma_wait3A_143 = tpu.memref_squeeze %dma_wait3A_142 : memref<1x1x1x8x128xf32, #tpu.memory_space<hbm>> -> memref<8x128xf32, #tpu.memory_space<hbm>>
    %dma_wait3A_144 = arith.constant 24 : i32
    %dma_wait3A_145 = arith.constant 0 : i32
    %dma_wait3A_146 = tpu.memref_slice %arg11[%dma_wait3A_144, %dma_wait3A_145] : memref<32x129xf32, #tpu.memory_space<vmem>> -> memref<8x128xf32, #tpu.memory_space<vmem>>
    tpu.wait_dma2 semaphore(%arg15 : memref<!tpu.dma_semaphore, #tpu.memory_space<semaphore_mem>>) src(%dma_wait3A_146 : memref<8x128xf32, #tpu.memory_space<vmem>>) dst(%dma_wait3A_143 : memref<8x128xf32, #tpu.memory_space<hbm>>)
    return
  }
}

module attributes {stable_mosaic.version = 14 : i64} {
  func.func @_pack_body(%arg0: i32, %arg1: memref<32x4096xf32, #tpu.memory_space<vmem>>, %arg2: memref<32x4096xf32, #tpu.memory_space<vmem>>, %arg3: memref<32x4096xf32, #tpu.memory_space<vmem>>, %arg4: memref<32x4096xf32, #tpu.memory_space<vmem>>, %arg5: memref<4096x128xf32, #tpu.memory_space<vmem>>) attributes {dimension_semantics = [#tpu.dimension_semantics<arbitrary>], iteration_bounds = array<i64: 62>, scalar_prefetch = 0 : i64, scratch_operands = 0 : i64, tpu.core_type = #tpu.core_type<tc>, window_params = [{transform_indices = @transform_0, window_bounds = array<i64: 32, 4096>}, {transform_indices = @transform_1, window_bounds = array<i64: 32, 4096>}, {transform_indices = @transform_2, window_bounds = array<i64: 32, 4096>}, {transform_indices = @transform_3, window_bounds = array<i64: 32, 4096>}, {transform_indices = @transform_4, window_bounds = array<i64: 4096, 128>}]} {
    %get3A = arith.constant 0 : index
    %get3A_0 = arith.constant 0 : index
    %get3A_1 = vector.load %arg1[%get3A, %get3A_0] : memref<32x4096xf32, #tpu.memory_space<vmem>>, vector<32x4096xf32>
    %transpose3A = tpu.transpose %get3A_1, [1, 0] : vector<32x4096xf32> -> vector<4096x32xf32>
    %swap3A = arith.constant 0 : index
    %swap3A_2 = arith.constant 0 : index
    %swap3A_3 = vector.load %arg5[%swap3A, %swap3A_2] : memref<4096x128xf32, #tpu.memory_space<vmem>>, vector<4096x32xf32>
    tpu.vector_store %arg5[%swap3A, %swap3A_2], %transpose3A {strides = array<i32>} : memref<4096x128xf32, #tpu.memory_space<vmem>>, vector<4096x32xf32>,
    %get3A_4 = arith.constant 0 : index
    %get3A_5 = arith.constant 0 : index
    %get3A_6 = vector.load %arg2[%get3A_4, %get3A_5] : memref<32x4096xf32, #tpu.memory_space<vmem>>, vector<32x4096xf32>
    %transpose3A_7 = tpu.transpose %get3A_6, [1, 0] : vector<32x4096xf32> -> vector<4096x32xf32>
    %swap3A_8 = arith.constant 0 : index
    %swap3A_9 = arith.constant 32 : index
    %swap3A_10 = vector.load %arg5[%swap3A_8, %swap3A_9] : memref<4096x128xf32, #tpu.memory_space<vmem>>, vector<4096x32xf32>
    tpu.vector_store %arg5[%swap3A_8, %swap3A_9], %transpose3A_7 {strides = array<i32>} : memref<4096x128xf32, #tpu.memory_space<vmem>>, vector<4096x32xf32>,
    %get3A_11 = arith.constant 0 : index
    %get3A_12 = arith.constant 0 : index
    %get3A_13 = vector.load %arg3[%get3A_11, %get3A_12] : memref<32x4096xf32, #tpu.memory_space<vmem>>, vector<32x4096xf32>
    %transpose3A_14 = tpu.transpose %get3A_13, [1, 0] : vector<32x4096xf32> -> vector<4096x32xf32>
    %swap3A_15 = arith.constant 0 : index
    %swap3A_16 = arith.constant 64 : index
    %swap3A_17 = vector.load %arg5[%swap3A_15, %swap3A_16] : memref<4096x128xf32, #tpu.memory_space<vmem>>, vector<4096x32xf32>
    tpu.vector_store %arg5[%swap3A_15, %swap3A_16], %transpose3A_14 {strides = array<i32>} : memref<4096x128xf32, #tpu.memory_space<vmem>>, vector<4096x32xf32>,
    %get3A_18 = arith.constant 0 : index
    %get3A_19 = arith.constant 0 : index
    %get3A_20 = vector.load %arg4[%get3A_18, %get3A_19] : memref<32x4096xf32, #tpu.memory_space<vmem>>, vector<32x4096xf32>
    %transpose3A_21 = tpu.transpose %get3A_20, [1, 0] : vector<32x4096xf32> -> vector<4096x32xf32>
    %swap3A_22 = arith.constant 0 : index
    %swap3A_23 = arith.constant 96 : index
    %swap3A_24 = vector.load %arg5[%swap3A_22, %swap3A_23] : memref<4096x128xf32, #tpu.memory_space<vmem>>, vector<4096x32xf32>
    tpu.vector_store %arg5[%swap3A_22, %swap3A_23], %transpose3A_21 {strides = array<i32>} : memref<4096x128xf32, #tpu.memory_space<vmem>>, vector<4096x32xf32>,
    return
  }
  func.func @transform_0(%arg0: i32) -> (i32, i32) {
    %add3A = arith.constant 0 : i32
    %add3A_0 = arith.addi %arg0, %add3A : i32
    %min3A = arith.constant 244 : i32
    %min3A_1 = arith.minsi %add3A_0, %min3A : i32
    %c0_i32 = arith.constant 0 : i32
    %c0_i32_2 = arith.constant 0 : i32
    return %c0_i32, %min3A_1 : i32, i32
  }
  func.func @transform_1(%arg0: i32) -> (i32, i32) {
    %add3A = arith.constant 62 : i32
    %add3A_0 = arith.addi %arg0, %add3A : i32
    %min3A = arith.constant 244 : i32
    %min3A_1 = arith.minsi %add3A_0, %min3A : i32
    %c0_i32 = arith.constant 0 : i32
    %c0_i32_2 = arith.constant 0 : i32
    return %c0_i32, %min3A_1 : i32, i32
  }
  func.func @transform_2(%arg0: i32) -> (i32, i32) {
    %add3A = arith.constant 124 : i32
    %add3A_0 = arith.addi %arg0, %add3A : i32
    %min3A = arith.constant 244 : i32
    %min3A_1 = arith.minsi %add3A_0, %min3A : i32
    %c0_i32 = arith.constant 0 : i32
    %c0_i32_2 = arith.constant 0 : i32
    return %c0_i32, %min3A_1 : i32, i32
  }
  func.func @transform_3(%arg0: i32) -> (i32, i32) {
    %add3A = arith.constant 186 : i32
    %add3A_0 = arith.addi %arg0, %add3A : i32
    %min3A = arith.constant 244 : i32
    %min3A_1 = arith.minsi %add3A_0, %min3A : i32
    %c0_i32 = arith.constant 0 : i32
    %c0_i32_2 = arith.constant 0 : i32
    return %c0_i32, %min3A_1 : i32, i32
  }
  func.func @transform_4(%arg0: i32) -> (i32, i32) {
    %c0_i32 = arith.constant 0 : i32
    %c0_i32_0 = arith.constant 0 : i32
    return %arg0, %c0_i32 : i32, i32
  }
}

</mosaic_0001>

<sc_bundles>
// kernel: _embed.4.cloned.1.call-start
scs
__scs_entry_jumppad:
0x0: {  	(pc) =	sbr.rel $0x88, $3  }
0x1: {  	(tag) =	ssettag $0x0;
	lr =	simm.s32 $0x1  }
0x2: {  	[smem:$0x3F9E] =	sst lr;
	_ =	strace $0xD0000000  }
0x3: {  	_ = 	snop  }
0x4: {  	_ = 	snop  }
0x5: {  	_ = 	snop  }
0x6: {  	_ = 	snop  }
0x7: {  	_ = 	snop  }
__scs_overlays_trampoline_lowered:
0x8: {  	[smem:$0x3FAD] =	sst s0  }
0x9: {  	[smem:$0x3FAE] =	sst s1  }
0xa: {  	[smem:$0x3FAF] =	sst s2  }
0xb: {  	[smem:$0x3FB0] =	sst s3  }
0xc: {  	[smem:$0x3FB1] =	sst s4  }
0xd: {  	[smem:$0x3FB2] =	sst s5  }
0xe: {  	[smem:$0x3FB3] =	sst s6  }
0xf: {  	[smem:$0x3FB4] =	sst s7  }
0x10: {  	[smem:$0x3FB5] =	sst s8  }
0x11: {  	[smem:$0x3FB6] =	sst s9;
	s0 =	simm.s32 @!p0 $0x0  }
0x12: {  	s1 =	sld [smem:$0x3F9C];
	s0 =	simm.s32 @p0 $0x1  }
0x13: {  	[smem:$0x3FB7] =	sst s0;
	s0 =	simm.s32 @!p1 $0x0  }
0x14: {  	s2 =	sld [smem:$0x3F9B];
	s0 =	simm.s32 @p1 $0x1  }
0x15: {  	[smem:$0x3FB8] =	sst s0;
	s0 =	simm.s32 @!p2 $0x0  }
0x16: {  	s3 =	sld [smem:$0x3FDB];
	s0 =	simm.s32 @p2 $0x1  }
0x17: {  	s4 =	simm.s32 $0x1BF5;
	[smem:$0x3FBA] =	sst s0  }
0x18: {  	s0 =	sld [smem:$0x3F9D];
	_ =	swait.ge [sflag:s4], $0x0  }
0x19: {  	s7 =	sld [smem:$0x3F9E]  }
0x1a: {  	s8 =	sadd.s32 $0xFFFFE003, lr  }
0x1b: {  	s9 =	sadd.s32 $0xFFFFFEF7, lr;
	s5 =	simm.s32 $0xFFFFFFFF;
	p2 =	slt.u32 s8, $0xFFFFF086  }
0x1c: {  	p1 =	slt.u32 s9, $0xF7A;
	s5 =	simm.s32 @!p2 $0x0  }
0x1d: {  	s5 =	simm.s32 @p1 $0x1;
	p0 =	seq.s32 s7, s2  }
0x1e: {  	s7 =	smul.u32 @!p0 $0xF7A, s2;
	p2 =	seq.s32 @!p0 s5, $0x0  }
0x1f: {  	s9 =	smul.u32 $0xF7A, s1;
	s8 =	simm.s32 @!p0 $0x1BF5;
	p2 =	por !p2, p0  }
0x20: {  	[sflag:s8] =	ssyncset.s32 @!p0 $0xFFFFF086;
	s6 =	sadd.s32 @!p0 s3, s7;
	s7 =	simm.s32 @!p0 $0x108  }
0x21: {  	s3 =	sadd.s32 s3, s9;
	s6 =	sadd.s32 @!p0 $0x88, s6;
	s7 =	simm.s32 @p2 $0x1082  }
0x22: {  	[simem:s7], [sflag:s8] =	dma.local @!p0 [hbm:s6], $0xF7A  }
0x23: {  	s9 =	sor.u32 $0xD0000000, s2;
	s6 =	simm.s32 $0x108;
	_ =	swait.ge @!p0 [sflag:s8], $0x0  }
0x24: {  	s3 =	sadd.s32 $0x88, s3;
	s6 =	simm.s32 @!p1 $0x1082;
	[sflag:s4] =	ssyncset.s32 $0xFFFFF086  }
0x25: {  	[simem:s6], [sflag:s4] =	dma.local [hbm:s3], $0xF7A  }
0x26: {  	[smem:$0x3F9E] =	sst s1;
	(tag) =	ssettag s2;
	_ =	strace s9  }
0x27: {  	s1 =	sld [smem:$0x3FAE]  }
0x28: {  	s2 =	sld [smem:$0x3FAF]  }
0x29: {  	s4 =	sld [smem:$0x3FB1]  }
0x2a: {  	p0 =	seq.s32 s5, $0x0;
	s5 =	sld [smem:$0x3FB2]  }
0x2b: {  	s6 =	sld [smem:$0x3FB3]  }
0x2c: {  	s7 =	sld [smem:$0x3FB4]  }
0x2d: {  	s3 =	simm.s32 $0x108;
	s8 =	sld [smem:$0x3FB5]  }
0x2e: {  	s3 =	simm.s32 @!p0 $0x1082;
	s9 =	sld [smem:$0x3FB6]  }
0x2f: {  	lr =	sadd.s32 s0, s3;
	s0 =	sld [smem:$0x3FAD]  }
0x30: {  	s3 =	sld [smem:$0x3FB0]  }
0x31: {  	[smem:$0x3FB9] =	sst s10  }
0x32: {  	s10 =	sld [smem:$0x3FB7];
	_ =	sdelay $0x3  }
0x33: {  	p0 =	seq.s32 s10, $0x1;
	s10 =	sld [smem:$0x3FB9];
	_ =	sdelay $0x3  }
0x34: {  	[smem:$0x3FB9] =	sst s10  }
0x35: {  	s10 =	sld [smem:$0x3FB8];
	_ =	sdelay $0x3  }
0x36: {  	p1 =	seq.s32 s10, $0x1;
	s10 =	sld [smem:$0x3FB9];
	_ =	sdelay $0x3  }
0x37: {  	[smem:$0x3FB9] =	sst s10  }
0x38: {  	s10 =	sld [smem:$0x3FBA]  }
0x39: {  	_ = 	snop;
	(pc) =	sbr.ind lr, $3  }
0x3a: {  	_ = 	snop  }
0x3b: {  	_ = 	snop  }
0x3c: {  	p2 =	seq.s32 s10, $0x1;
	s10 =	sld [smem:$0x3FB9]  }
0x3d: {  	_ =	shalt  }
0x3e: {  	_ =	shalt  }
0x3f: {  	_ =	shalt  }
0x40: {  	_ =	shalt  }
0x41: {  	_ =	shalt  }
0x42: {  	_ =	shalt  }
0x43: {  	_ =	shalt  }
0x44: {  	_ =	shalt  }
0x45: {  	_ =	shalt  }
0x46: {  	_ =	shalt  }
0x47: {  	_ =	shalt  }
0x48: {  	_ =	shalt  }
0x49: {  	_ =	shalt  }
0x4a: {  	_ =	shalt  }
0x4b: {  	_ =	shalt  }
0x4c: {  	_ =	shalt  }
0x4d: {  	_ =	shalt  }
0x4e: {  	_ =	shalt  }
0x4f: {  	_ =	shalt  }
0x50: {  	_ =	shalt  }
0x51: {  	_ =	shalt  }
0x52: {  	_ =	shalt  }
0x53: {  	_ =	shalt  }
0x54: {  	_ =	shalt  }
0x55: {  	_ =	shalt  }
0x56: {  	_ =	shalt  }
0x57: {  	_ =	shalt  }
0x58: {  	_ =	shalt  }
0x59: {  	_ =	shalt  }
0x5a: {  	_ =	shalt  }
0x5b: {  	_ =	shalt  }
0x5c: {  	_ =	shalt  }
0x5d: {  	_ =	shalt  }
0x5e: {  	_ =	shalt  }
0x5f: {  	_ =	shalt  }
0x60: {  	_ =	shalt  }
0x61: {  	_ =	shalt  }
0x62: {  	_ =	shalt  }
0x63: {  	_ =	shalt  }
0x64: {  	_ =	shalt  }
0x65: {  	_ =	shalt  }
0x66: {  	_ =	shalt  }
0x67: {  	_ =	shalt  }
0x68: {  	_ =	shalt  }
0x69: {  	_ =	shalt  }
0x6a: {  	_ =	shalt  }
0x6b: {  	_ =	shalt  }
0x6c: {  	_ =	shalt  }
0x6d: {  	_ =	shalt  }
0x6e: {  	_ =	shalt  }
0x6f: {  	_ =	shalt  }
0x70: {  	_ =	shalt  }
0x71: {  	_ =	shalt  }
0x72: {  	_ =	shalt  }
0x73: {  	_ =	shalt  }
0x74: {  	_ =	shalt  }
0x75: {  	_ =	shalt  }
0x76: {  	_ =	shalt  }
0x77: {  	_ =	shalt  }
0x78: {  	_ =	shalt  }
0x79: {  	_ =	shalt  }
0x7a: {  	_ =	shalt  }
0x7b: {  	_ =	shalt  }
0x7c: {  	_ =	shalt  }
0x7d: {  	_ =	shalt  }
0x7e: {  	_ =	shalt  }
0x7f: {  	_ =	shalt  }
0x80: {  	_ =	shalt  }
0x81: {  	_ =	shalt  }
0x82: {  	_ =	shalt  }
0x83: {  	_ =	shalt  }
0x84: {  	_ =	shalt  }
0x85: {  	_ =	shalt  }
0x86: {  	_ =	shalt  }
0x87: {  	_ =	shalt  }
.Lfunc_end0:
.L_simem_size_0:
called_computation_lowered:
.L_overlay_start_0:
0x88: {  	s2 =	sld [smem:$0x3FD9]  }
0x89: {  	s3 =	sld [smem:$0x3FFE];
	_ =	sdelay $0x1  }
0x8a: {  	s1 =	srdreg.scid  }
0x8b: {  	s0 =	sand.u32 $0x1, s1  }
0x8c: {  	s17 =	sshll.u32 s0, $0xA;
	s2 =	sadd.s32 s3, s2  }
0x8d: {  	s2 =	sadd.s32 s2, s17  }
0x8e: {  	[smem:$0x3FC5] =	sst s2  }
0x8f: {  	_ = 	snop  }
0x90: {  	s2 =	sld [smem:$0x3FD0];
	(tm) =	ssettm $0x1  }
0x91: {  	s18 =	sld [smem:$0x3FFB];
	_ =	sdelay $0x3  }
0x92: {  	_ =	strace s18  }
0x93: {  	s3 =	sld [smem:$0x3FFC];
	_ =	sdelay $0x3  }
0x94: {  	_ =	strace s3  }
0x95: {  	s3 =	sld [smem:$0x3FFD];
	_ =	sdelay $0x3  }
0x96: {  	_ =	strace s3  }
0x97: {  	_ =	strace $0x8FFFFFFF  }
0x98: {  	s19 =	sld [smem:$0x3FDB];
	_ =	sdelay $0x1  }
0x99: {  	s4 =	simm.s32 $_scs_section_size  }
0x9a: {  	s5 =	simm.s32 $_size__tile_overlayer_lowered;
	s6 =	simm.s32 $_tile_overlayer_lowered  }
0x9b: {  	s22 =	simm.s32 $0x1BFF;
	s21 =	sshll.u32 s6, $0x1;
	s3 =	sadd.s32 s4, s19  }
0x9c: {  	s7 =	simm.s32 $0x0;
	s20 =	sshll.u32 s5, $0x1;
	s5 =	sadd.s32 s21, s3  }
0x9d: {  	[timem:s7], [sflag:s22] =	dma.local [hbm:s5], s20  }
0x9e: {  	_ =	swait.ge [sflag:s22], s20  }
0x9f: {  	s4 =	ssub.s32 $0x0, s20;
	[sflag:s22] =	ssyncset.done $0x0  }
0xa0: {  	[sflag:s22] =	ssyncadd.s32 s4;
	_ =	sdelay $0x1  }
0xa1: {  	s23 =	simm.s32 $0x1B8B  }
0xa2: {  	_ =	swait.ge [sflag:s23], $0x1  }
0xa3: {  	[sflag:s23] =	ssyncset.done $0x0  }
0xa4: {  	s25 =	simm.s32 $0x1B8E;
	s24 =	sld [smem:$0x3FFE];
	[sflag:s23] =	ssyncadd.s32 $0xFFFFFFFF  }
0xa5: {  	s26 =	simm.s32 $execute0_lowered;
	[smem:$0x3FD2] =	sst s25  }
0xa6: {  	s5 =	sshll.u32 s26, $0x1;
	_ =	strace $0x80000046;
	[dreg:$0x1] =	wrdreg $0xFFFFFFFF  }
0xa7: {  	s28 =	simm.s32 $_size_execute0_lowered;
	s3 =	sadd.s32 s3, s5;
	[dreg:$0x0] =	wrdreg $0x0  }
0xa8: {  	s5 =	sshll.u32 s28, $0x1;
	[dreg:$0x2] =	wrdreg s3  }
0xa9: {  	[dreg:$0x3] =	wrdreg s5  }
0xaa: {  	[dreg:$0x4] =	wrdreg $0xC0  }
0xab: {  	_ =	task [dreg:s7], $0x5FFFF  }
0xac: {  	[dreg:$0x1] =	wrdreg $0xFFFFFFFF  }
0xad: {  	[dreg:$0x0] =	wrdreg $0x60  }
0xae: {  	[dreg:$0x2] =	wrdreg s24  }
0xaf: {  	[dreg:$0x3] =	wrdreg s2  }
0xb0: {  	[dreg:$0x4] =	wrdreg $0x9  }
0xb1: {  	_ =	task.clear_ibuf [dreg:s7], $0x5FFFF;
	_ =	strace $0x90000046  }
0xb2: {  	s29 =	simm.s32 $0x9;
	_ =	strace $0x80000048  }
0xb3: {  	_ =	swait.ge [sflag:s29], $0x1  }
0xb4: {  	[sflag:s29] =	ssyncadd.s32 $0xFFFFFFFF  }
0xb5: {  	_ =	strace $0x90000048  }
0xb6: {  	_ =	sfence  }
0xb7: {  	s30 =	sld [smem:$0x0];
	_ =	sdelay $0x2  }
0xb8: {  	s31 =	sshll.u32 s1, $0xD;
	s1 =	sshrl.u32 s1, $0x2  }
0xb9: {  	s3 =	sand.u32 $0x4000, s31;
	s1 =	sadd.s32 s1, s30  }
0xba: {  	s0 =	sor.u32 s3, s0;
	s1 =	sshll.u32 s1, $0x11  }
0xbb: {  	s0 =	sor.u32 s1, s0  }
0xbc: {  	s0 =	sadd.s32 $0x8F2B, s0  }
0xbd: {  	[sflag:s0] =	ssyncadd.remote.s32 $0x1  }
0xbe: {  	_ =	sfence.sel $0xFFFF  }
0xbf: {  	[dreg:$0x0] =	wrdreg $0xFFFFFFFF;
	(pc) =	sbr.abs _section_cstart, $3  }
0xc0: {  	[dreg:$0x1] =	wrdreg $0xFFFFFFFF  }
0xc1: {  	_ =	task.clear_ibuf [dreg:s7], $0x2FFFF;
	_ =	strace $0x9FFFFFFF  }
0xc2: {  	(tm) =	ssettm $0x7FFFFFFF  }
0xc3: {  	_ =	shalt  }
tec
execute0_lowered:
.L_overlay_start_1:
0x0: {  	(tag) =	ssettag $0x1  }
0x1: {  	s0 =	rddreg [dreg:$0x0];
	s1 =	srdreg.scid  }
0x2: {  	s3 =	stileid.u32;
	s2 =	rddreg [dreg:$0x1]  }
0x3: {  	s12 =	simm.s32 $0x80;
	s30 =	simm.s32 $0x5;
	s17 =	simm.s32 $0x1  }
0x4: {  	s18 =	simm.s32 $0x6400;
	s19 =	simm.s32 $0x9E00;
	s13 =	simm.s32 $0xAF00  }
0x5: {  	s16 =	simm.s32 $0xBAB0;
	s20 =	simm.s32 $0xBB38;
	s21 =	simm.s32 $0xBBC0  }
0x6: {  	s22 =	simm.s32 $0xBC48;
	s23 =	simm.s32 $0xBCD0;
	s24 =	simm.s32 $0xBD58  }
0x7: {  	v2 =	vlaneseq.u32;
	s25 =	simm.s32 $0xBDE0;
	s28 =	simm.s32 $0xBEF0;
	s29 =	simm.s32 $0xBF78  }
0x8: {  	s11 =	simm.s32 $0x0;
	s1 =	sand.u32 $0x1, s1;
	s4 =	sshll.u32 s3, $0x1;
	v0 =	vmul.u32 $0xD0, v2  }
0x9: {  	v1 =	vimm.s32 $0x0;
	vm0 =	vcmask $0x300;
	s3 =	simm.s32 $0x0;
	s5 =	sadd.s32 $0x400, s0;
	s9 =	sadd.s32 $0x2000, s2;
	v2 =	vmul.u32 $0x88, v2  }
0xa: {  	s10 =	sadd.s32 $0x3000, s2;
	v4 =	vsel vm0, $0x3, v1;
	s6 =	sor.u32 s1, s4;
	[smem:$0x7FF] =	sst s3;
	v3 =	vadd.s32 $0xD00, v0  }
0xb: {  	s1 =	ssub.s32 $0x2, s1;
	s4 =	sshll.u32 s6, $0x4;
	_ =	strace $0x80000047;
	v5 =	vadd.s32 $0x880, v2;
	v6 =	vor.u32 $0x1, v2;
	v7 =	vadd.s32 $0x881, v2  }
0xc: {  	s8 =	sshrl.u32 s1, $0x1;
	v8 =	vor.u32 $0x2, v2;
	v9 =	vadd.s32 $0x882, v2;
	v10 =	vor.u32 $0x3, v2;
	s7 =	sadd.s32 s4, s0;
	s4 =	sadd.s32 $0x19800, s0  }
0xd: {  	v11 =	vadd.s32 $0x883, v2;
	v12 =	vor.u32 $0x4, v2;
	v13 =	vadd.s32 $0x884, v2;
	s26 =	ssub.s32 s1, s8;
	s8 =	sadd.s32 $0x1000, s2;
	s31 =	sadd.s32 $0x800, s7  }
0xe: {  	v14 =	vor.u32 $0x5, v2;
	v15 =	vadd.s32 $0x885, v2;
	v16 =	vor.u32 $0x6, v2;
	s7 =	sshll.u32 s6, $0xA;
	s0 =	smax.u32 s26, $0x1;
	[dreg:$0x3] =	wrdreg s31  }
0xf: {  	v17 =	vadd.s32 $0x886, v2;
	v18 =	vor.u32 $0x7, v2;
	v19 =	vadd.s32 $0x887, v2;
	s26 =	simm.s32 $0xBE68;
	[dreg:$0x4] =	wrdreg s0;
	s0 =	simm.s32 $0x2  }
.LBB2_1:
0x10: {  	[dreg:$0x5] =	wrdreg s11  }
0x11: {  	s1 =	rddreg [dreg:$0x3];
	s6 =	simm.s32 $0x1000  }
0x12: {  	[tilespmem:s3], [sflag:$0x5] =	stream.strided.gather [hbm4b:s1+s12], $0x6400, s6, s12, $0x38;
	[tilespmem:$0xC000] =	vst v63  }
0x13: {  	_ =	swait.ge [sflag:s30], $0x6400  }
0x14: {  	s11 =	sadd.s32 $0x0, s5;
	s15 =	simm.s32 $0x6400;
	[sflag:s30] =	ssyncset.done $0x0  }
0x15: {  	s1 =	simm.s32 $0x19;
	s6 =	simm.s32 $0x64D0;
	[sflag:s30] =	ssyncadd.s32 $0xFFFF9C00  }
.LBB2_2:
0x16: {  	[tilespmem:s15], [sflag:$0x5] =	stream.linear.gather [hbm4b:s11+s3], $0xC8, $0x38;
	[tilespmem:$0xC000] =	vst v63  }
0x17: {  	s11 =	smov.u32 s1;
	s15 =	smov.u32 s6;
	p0 =	sne.s32 s1, $0x307  }
.Ltmp0:
0x18: {  	s1 =	sadd.s32 $0x19, s1;
	(pc) =	sbr.rel @p0 .LBB2_2-.Ltmp0, $2  }
0x19: {  	_ =	sdelay $0x2  }
0x1a: {  	s6 =	sadd.s32 $0xD0, s6;
	s11 =	sadd.s32 s11, s5  }
0x1b: {  	[tilespmem:s15], [sflag:$0x5] =	stream.linear.gather [hbm4b:s11+s3], $0xC8, $0x38;
	[tilespmem:$0xC000] =	vst v63  }
0x1c: {  	_ =	swait.ge [sflag:s30], $0x1900  }
0x1d: {  	[sflag:s30] =	ssyncset.done $0x0  }
0x1e: {  	s1 =	simm.s32 $0x80;
	[sflag:s30] =	ssyncadd.s32 $0xFFFFE700  }
0x1f: {  	v20 =	vld [tilespmem:s1+$0xFFFFFF80]  }
0x20: {  	v21 =	vld [tilespmem:s1+$0xFFFFFF90]  }
0x21: {  	v22 =	vld [tilespmem:s1+$0xFFFFFFA0];
	_ =	sdelay $0x1  }
0x22: {  	v41 =	vld [tilespmem:s1+$0xFFFFFFE0]  }
0x23: {  	vm0 =	vgt.s32 v20, $0x3DFFF;
	vm1 =	vgt.s32 v20, $0x7BFFF;
	vm2 =	vgt.s32 v20, $0xB9FFF  }
0x24: {  	vm10 =	vgt.s32 v21, $0x3DFFF;
	vm11 =	vgt.s32 v21, $0xB9FFF;
	vm12 =	vgt.s32 v21, $0x7BFFF  }
0x25: {  	vm13 =	vgt.s32 v22, $0x3DFFF;
	vm14 =	vgt.s32 v22, $0x7BFFF;
	vm15 =	vgt.s32 v22, $0xB9FFF  }
0x26: {  	v20 =	vshll.u32 v20, $0x2;
	v21 =	vshll.u32 v21, $0x2;
	v22 =	vshll.u32 v22, $0x2  }
0x27: {  	v44 =	vshll.u32 v41, $0x2;
	v23 =	vsel vm0, $0x1, v1;
	v24 =	vsel vm1, $0x1, v1  }
0x28: {  	v25 =	vsel vm2, $0x1, v1;
	v27 =	vsel vm12, $0x1, v1;
	v28 =	vsel vm13, $0x1, v1  }
0x29: {  	v29 =	vsel vm14, $0x1, v1;
	v23 =	vadd.s32 v24, v23;
	v24 =	vsel vm10, $0x1, v1  }
0x2a: {  	v26 =	vsel vm11, $0x1, v1;
	v24 =	vadd.s32 v27, v24;
	v27 =	vadd.s32 v29, v28;
	v29 =	vld [tilespmem:s1+$0xFFFFFFB0]  }
0x2b: {  	v28 =	vsel vm15, $0x1, v1;
	v23 =	vadd.s32 v25, v23;
	v24 =	vadd.s32 v26, v24  }
0x2c: {  	v25 =	vadd.s32 v28, v27;
	v23 =	vmul.u32 $0xFFF08001, v23;
	v26 =	vld [tilespmem:s1+$0xFFFFFFC0];
	v24 =	vmul.u32 $0xFFF08001, v24  }
0x2d: {  	vm13 =	vgt.s32 v41, $0x3DFFF;
	vm14 =	vgt.s32 v41, $0x7BFFF;
	v25 =	vmul.u32 $0xFFF08001, v25  }
0x2e: {  	vm15 =	vgt.s32 v41, $0xB9FFF;
	v27 =	vadd.s32 v20, v23;
	v21 =	vadd.s32 v21, v24  }
0x2f: {  	v42 =	vld [tilespmem:s1+$0x10];
	v20 =	vadd.s32 v22, v25;
	vm4 =	vgt.s32 v29, $0x3DFFF;
	vm5 =	vgt.s32 v29, $0x7BFFF  }
0x30: {  	vm6 =	vgt.s32 v29, $0xB9FFF;
	v29 =	vshll.u32 v29, $0x2;
	v23 =	vsel vm4, $0x1, v1  }
0x31: {  	v24 =	vsel vm5, $0x1, v1;
	v25 =	vsel vm6, $0x1, v1;
	vm7 =	vgt.s32 v26, $0x3DFFF  }
0x32: {  	v35 =	vld [tilespmem:s1+$0x50];
	vm8 =	vgt.s32 v26, $0xB9FFF;
	vm9 =	vgt.s32 v26, $0x7BFFF;
	v26 =	vshll.u32 v26, $0x2  }
0x33: {  	v22 =	vld [tilespmem:s1+$0xFFFFFFD0];
	v23 =	vadd.s32 v24, v23;
	v24 =	vsel vm7, $0x1, v1;
	v28 =	vsel vm8, $0x1, v1  }
0x34: {  	v30 =	vsel vm9, $0x1, v1;
	vm7 =	vgt.s32 v42, $0x3DFFF;
	vm8 =	vgt.s32 v42, $0x7BFFF  }
0x35: {  	vm9 =	vgt.s32 v42, $0xB9FFF;
	v24 =	vadd.s32 v30, v24;
	v23 =	vadd.s32 v25, v23  }
0x36: {  	v45 =	vsel vm7, $0x1, v1;
	v33 =	vsel vm8, $0x1, v1;
	v46 =	vsel vm9, $0x1, v1  }
0x37: {  	v30 =	vshll.u32 v42, $0x2;
	vm7 =	vgt.s32 v35, $0x3DFFF;
	vm8 =	vgt.s32 v35, $0x7BFFF  }
0x38: {  	vm9 =	vgt.s32 v35, $0xB9FFF;
	vm10 =	vgt.s32 v22, $0x3DFFF;
	vm11 =	vgt.s32 v22, $0x7BFFF  }
0x39: {  	v47 =	vld [tilespmem:s1+$0x30];
	vm12 =	vgt.s32 v22, $0xB9FFF;
	v24 =	vadd.s32 v28, v24;
	v23 =	vmul.u32 $0xFFF08001, v23  }
0x3a: {  	v22 =	vshll.u32 v22, $0x2;
	v36 =	vsel vm7, $0x1, v1;
	v37 =	vsel vm8, $0x1, v1  }
0x3b: {  	v57 =	vsel vm9, $0x1, v1;
	v31 =	vsel vm10, $0x1, v1;
	v32 =	vsel vm11, $0x1, v1  }
0x3c: {  	v38 =	vld [tilespmem:s1+$0x70];
	v40 =	vsel vm12, $0x1, v1;
	v24 =	vmul.u32 $0xFFF08001, v24;
	v36 =	vadd.s32 v37, v36  }
0x3d: {  	v39 =	vadd.s32 v32, v31;
	v29 =	vadd.s32 v29, v23;
	v23 =	vsel vm14, $0x1, v1  }
0x3e: {  	v28 =	vld [tilespmem:s1+$0x0];
	v32 =	vadd.s32 v33, v45;
	vm14 =	vgt.s32 v47, $0x7BFFF;
	v36 =	vadd.s32 v57, v36  }
0x3f: {  	v25 =	vadd.s32 v40, v39;
	v24 =	vadd.s32 v26, v24;
	v26 =	vsel vm15, $0x1, v1  }
0x40: {  	v34 =	vld [tilespmem:s1+$0x40];
	v51 =	vsel vm14, $0x1, v1;
	vm15 =	vgt.s32 v47, $0xB9FFF;
	v58 =	vmul.u32 $0xFFF08001, v36  }
0x41: {  	vm14 =	vgt.s32 v38, $0x7BFFF;
	[tilespmem:s1+$0xFFFFFFB0] =	vst v29;
	v29 =	vshll.u32 v35, $0x2;
	v25 =	vmul.u32 $0xFFF08001, v25  }
0x42: {  	v52 =	vsel vm15, $0x1, v1;
	v62 =	vsel vm14, $0x1, v1;
	vm15 =	vgt.s32 v38, $0xB9FFF  }
0x43: {  	vm4 =	vgt.s32 v28, $0x3DFFF;
	vm5 =	vgt.s32 v28, $0x7BFFF;
	vm6 =	vgt.s32 v28, $0xB9FFF  }
0x44: {  	v28 =	vshll.u32 v28, $0x2;
	v25 =	vadd.s32 v22, v25;
	v22 =	vsel vm13, $0x1, v1  }
0x45: {  	[tilespmem:s1+$0xFFFFFF80] =	vst v27;
	v39 =	vld [tilespmem:s1+$0xFFFFFFF0];
	v43 =	vsel vm5, $0x1, v1;
	vm13 =	vgt.s32 v47, $0x3DFFF;
	vm5 =	vgt.s32 v34, $0x7BFFF  }
0x46: {  	[tilespmem:s1+$0xFFFFFF90] =	vst v21;
	v22 =	vadd.s32 v23, v22;
	v23 =	vsel vm4, $0x1, v1;
	v50 =	vsel vm13, $0x1, v1  }
0x47: {  	s30 =	simm.s32 $0x180;
	[tilespmem:s1+$0xFFFFFFA0] =	vst v20;
	vm4 =	vgt.s32 v34, $0x3DFFF;
	v54 =	vsel vm5, $0x1, v1;
	vm13 =	vgt.s32 v38, $0x3DFFF  }
0x48: {  	v63 =	vld [tilespmem:s30+$0xFFFFFF80];
	[tilespmem:s1+$0xFFFFFFD0] =	vst v25;
	v25 =	vshll.u32 v38, $0x2;
	v22 =	vadd.s32 v26, v22;
	v23 =	vadd.s32 v43, v23  }
0x49: {  	v26 =	vsel vm6, $0x1, v1;
	v53 =	vsel vm4, $0x1, v1;
	vm6 =	vgt.s32 v34, $0xB9FFF  }
0x4a: {  	v34 =	vshll.u32 v34, $0x2;
	v21 =	vsel vm13, $0x1, v1;
	vm4 =	vgt.s32 v39, $0x3DFFF  }
0x4b: {  	[tilespmem:s1+$0xFFFFFFC0] =	vst v24;
	vm5 =	vgt.s32 v39, $0x7BFFF;
	v22 =	vmul.u32 $0xFFF08001, v22;
	v23 =	vadd.s32 v26, v23  }
0x4c: {  	v43 =	vld [tilespmem:s30+$0xFFFFFFA0];
	v55 =	vsel vm6, $0x1, v1;
	v21 =	vadd.s32 v62, v21;
	v41 =	vsel vm5, $0x1, v1  }
0x4d: {  	v26 =	vld [tilespmem:s1+$0x20];
	vm6 =	vgt.s32 v39, $0xB9FFF;
	vm7 =	vgt.s32 v63, $0x3DFFF;
	vm8 =	vgt.s32 v63, $0x7BFFF  }
0x4e: {  	vm9 =	vgt.s32 v63, $0xB9FFF;
	v23 =	vmul.u32 $0xFFF08001, v23;
	v42 =	vsel vm6, $0x1, v1  }
0x4f: {  	v45 =	vsel vm8, $0x1, v1;
	v31 =	vadd.s32 v44, v22;
	v22 =	vadd.s32 v46, v32  }
0x50: {  	v32 =	vshll.u32 v47, $0x2;
	v44 =	vsel vm7, $0x1, v1;
	v46 =	vsel vm9, $0x1, v1  }
0x51: {  	v56 =	vld [tilespmem:s1+$0x60];
	v28 =	vadd.s32 v28, v23;
	v22 =	vmul.u32 $0xFFF08001, v22;
	vm13 =	vgt.s32 v43, $0x3DFFF  }
0x52: {  	vm14 =	vgt.s32 v43, $0x7BFFF;
	v35 =	vshll.u32 v43, $0x2;
	vm10 =	vgt.s32 v26, $0x3DFFF  }
0x53: {  	vm11 =	vgt.s32 v26, $0x7BFFF;
	vm12 =	vgt.s32 v26, $0xB9FFF;
	v22 =	vadd.s32 v30, v22  }
0x54: {  	v26 =	vshll.u32 v26, $0x2;
	v30 =	vadd.s32 v54, v53;
	v23 =	vsel vm10, $0x1, v1  }
0x55: {  	v48 =	vsel vm11, $0x1, v1;
	v49 =	vsel vm12, $0x1, v1;
	v30 =	vadd.s32 v55, v30  }
0x56: {  	[tilespmem:s1+$0xFFFFFFE0] =	vst v31;
	vm10 =	vgt.s32 v56, $0x3DFFF;
	vm11 =	vgt.s32 v56, $0x7BFFF;
	vm12 =	vgt.s32 v56, $0xB9FFF  }
0x57: {  	v53 =	vld [tilespmem:s30+$0xFFFFFFB0];
	v23 =	vadd.s32 v48, v23;
	v30 =	vmul.u32 $0xFFF08001, v30;
	v59 =	vsel vm10, $0x1, v1  }
0x58: {  	v60 =	vsel vm11, $0x1, v1;
	v61 =	vsel vm12, $0x1, v1;
	v23 =	vadd.s32 v49, v23  }
0x59: {  	v27 =	vadd.s32 v60, v59;
	v23 =	vmul.u32 $0xFFF08001, v23;
	v30 =	vadd.s32 v34, v30  }
0x5a: {  	v55 =	vld [tilespmem:s30+$0xFFFFFFC0];
	v20 =	vadd.s32 v61, v27;
	v27 =	vsel vm15, $0x1, v1;
	vm15 =	vgt.s32 v43, $0xB9FFF  }
0x5b: {  	v20 =	vmul.u32 $0xFFF08001, v20;
	v21 =	vadd.s32 v27, v21;
	v27 =	vadd.s32 v29, v58  }
0x5c: {  	[tilespmem:s1+$0x0] =	vst v28;
	v29 =	vshll.u32 v56, $0x2;
	vm5 =	vgt.s32 v53, $0x7BFFF;
	vm6 =	vgt.s32 v53, $0xB9FFF  }
0x5d: {  	[tilespmem:s1+$0x10] =	vst v22;
	v23 =	vadd.s32 v26, v23;
	v26 =	vadd.s32 v51, v50;
	v21 =	vmul.u32 $0xFFF08001, v21  }
0x5e: {  	v40 =	vld [tilespmem:s30+$0xFFFFFFE0];
	v50 =	vsel vm13, $0x1, v1;
	v51 =	vsel vm14, $0x1, v1;
	v58 =	vsel vm5, $0x1, v1  }
0x5f: {  	v59 =	vsel vm6, $0x1, v1;
	vm7 =	vgt.s32 v55, $0x3DFFF;
	vm8 =	vgt.s32 v55, $0xB9FFF  }
0x60: {  	vm9 =	vgt.s32 v55, $0x7BFFF;
	v26 =	vadd.s32 v52, v26;
	v24 =	vadd.s32 v29, v20  }
0x61: {  	v20 =	vsel vm4, $0x1, v1;
	v31 =	vadd.s32 v51, v50;
	v52 =	vsel vm15, $0x1, v1  }
0x62: {  	vm4 =	vgt.s32 v53, $0x3DFFF;
	v60 =	vsel vm7, $0x1, v1;
	v61 =	vsel vm9, $0x1, v1  }
0x63: {  	v56 =	vld [tilespmem:s30+$0xFFFFFFD0];
	[tilespmem:s1+$0x20] =	vst v23;
	v23 =	vsel vm8, $0x1, v1;
	vm13 =	vgt.s32 v40, $0x3DFFF;
	vm14 =	vgt.s32 v40, $0x7BFFF  }
0x64: {  	vm15 =	vgt.s32 v40, $0xB9FFF;
	v26 =	vmul.u32 $0xFFF08001, v26;
	v33 =	vadd.s32 v41, v20  }
0x65: {  	v29 =	vld [tilespmem:s30+$0xFFFFFF90];
	v25 =	vadd.s32 v25, v21;
	v20 =	vshll.u32 v39, $0x2;
	v31 =	vadd.s32 v52, v31  }
0x66: {  	v57 =	vsel vm4, $0x1, v1;
	v21 =	vadd.s32 v42, v33;
	v33 =	vadd.s32 v45, v44  }
0x67: {  	v31 =	vmul.u32 $0xFFF08001, v31;
	v42 =	vshll.u32 v53, $0x2;
	v26 =	vadd.s32 v32, v26  }
0x68: {  	v33 =	vadd.s32 v46, v33;
	v32 =	vshll.u32 v63, $0x2;
	v43 =	vshll.u32 v56, $0x2  }
0x69: {  	v46 =	vsel vm15, $0x1, v1;
	v28 =	vmul.u32 $0xFFF08001, v33;
	v31 =	vadd.s32 v35, v31  }
0x6a: {  	v33 =	vadd.s32 v61, v60;
	vm10 =	vgt.s32 v29, $0x3DFFF;
	vm11 =	vgt.s32 v29, $0xB9FFF  }
0x6b: {  	vm12 =	vgt.s32 v29, $0x7BFFF;
	v29 =	vshll.u32 v29, $0x2;
	v23 =	vadd.s32 v23, v33  }
0x6c: {  	v47 =	vsel vm10, $0x1, v1;
	v48 =	vsel vm11, $0x1, v1;
	v49 =	vsel vm12, $0x1, v1  }
0x6d: {  	v28 =	vadd.s32 v32, v28;
	v32 =	vadd.s32 v58, v57;
	vm10 =	vgt.s32 v56, $0x3DFFF  }
0x6e: {  	[tilespmem:s1+$0x30] =	vst v26;
	vm11 =	vgt.s32 v56, $0x7BFFF;
	vm12 =	vgt.s32 v56, $0xB9FFF;
	v23 =	vmul.u32 $0xFFF08001, v23  }
0x6f: {  	v41 =	vld [tilespmem:s30+$0x0];
	v34 =	vadd.s32 v49, v47;
	v62 =	vsel vm10, $0x1, v1;
	v22 =	vsel vm11, $0x1, v1  }
0x70: {  	v63 =	vsel vm12, $0x1, v1;
	v26 =	vadd.s32 v59, v32;
	v49 =	vshll.u32 v40, $0x2  }
0x71: {  	[tilespmem:s1+$0x40] =	vst v30;
	v34 =	vadd.s32 v48, v34;
	v22 =	vadd.s32 v22, v62;
	v26 =	vmul.u32 $0xFFF08001, v26  }
0x72: {  	v47 =	vld [tilespmem:s30+$0x10];
	v54 =	vmul.u32 $0xFFF08001, v34;
	v22 =	vadd.s32 v63, v22;
	v34 =	vshll.u32 v55, $0x2  }
0x73: {  	[tilespmem:s1+$0x50] =	vst v27;
	v22 =	vmul.u32 $0xFFF08001, v22;
	v26 =	vadd.s32 v42, v26;
	v44 =	vadd.s32 v34, v23  }
0x74: {  	[tilespmem:s1+$0x60] =	vst v24;
	v23 =	vsel vm14, $0x1, v1;
	vm4 =	vgt.s32 v41, $0x3DFFF;
	vm5 =	vgt.s32 v41, $0x7BFFF  }
0x75: {  	[tilespmem:s1+$0x70] =	vst v25;
	vm6 =	vgt.s32 v41, $0xB9FFF;
	v24 =	vshll.u32 v41, $0x2;
	v29 =	vadd.s32 v29, v54  }
0x76: {  	v56 =	vld [tilespmem:s30+$0x50];
	v48 =	vsel vm5, $0x1, v1;
	v27 =	vsel vm6, $0x1, v1;
	v45 =	vadd.s32 v43, v22  }
0x77: {  	v22 =	vsel vm13, $0x1, v1;
	vm7 =	vgt.s32 v47, $0x3DFFF;
	vm8 =	vgt.s32 v47, $0x7BFFF  }
0x78: {  	v55 =	vld [tilespmem:s30+$0x40];
	vm9 =	vgt.s32 v47, $0xB9FFF;
	v22 =	vadd.s32 v23, v22;
	v23 =	vsel vm4, $0x1, v1  }
0x79: {  	v35 =	vshll.u32 v47, $0x2;
	v50 =	vsel vm7, $0x1, v1;
	v23 =	vadd.s32 v48, v23  }
0x7a: {  	v51 =	vsel vm8, $0x1, v1;
	v53 =	vsel vm9, $0x1, v1;
	v23 =	vadd.s32 v27, v23;
	v27 =	vld [tilespmem:s30+$0x20]  }
0x7b: {  	vm7 =	vgt.s32 v56, $0x3DFFF;
	vm8 =	vgt.s32 v56, $0x7BFFF;
	v22 =	vadd.s32 v46, v22  }
0x7c: {  	vm9 =	vgt.s32 v56, $0xB9FFF;
	v22 =	vmul.u32 $0xFFF08001, v22;
	v23 =	vmul.u32 $0xFFF08001, v23  }
0x7d: {  	v54 =	vld [tilespmem:s30+$0x30];
	v52 =	vadd.s32 v51, v50;
	vm4 =	vgt.s32 v55, $0x3DFFF;
	vm5 =	vgt.s32 v55, $0x7BFFF  }
0x7e: {  	v30 =	vadd.s32 v49, v22;
	v22 =	vadd.s32 v53, v52;
	v24 =	vadd.s32 v24, v23  }
0x7f: {  	v22 =	vmul.u32 $0xFFF08001, v22;
	vm10 =	vgt.s32 v27, $0x3DFFF;
	vm11 =	vgt.s32 v27, $0x7BFFF  }
0x80: {  	vm12 =	vgt.s32 v27, $0xB9FFF;
	v23 =	vsel vm10, $0x1, v1;
	v25 =	vsel vm11, $0x1, v1  }
0x81: {  	vm6 =	vgt.s32 v55, $0xB9FFF;
	v23 =	vadd.s32 v25, v23;
	v25 =	vsel vm12, $0x1, v1  }
0x82: {  	vm13 =	vgt.s32 v54, $0x3DFFF;
	v35 =	vadd.s32 v35, v22;
	v22 =	vadd.s32 v25, v23  }
0x83: {  	vm14 =	vgt.s32 v54, $0x7BFFF;
	vm15 =	vgt.s32 v54, $0xB9FFF;
	v22 =	vmul.u32 $0xFFF08001, v22  }
0x84: {  	v23 =	vshll.u32 v27, $0x2;
	v25 =	vsel vm13, $0x1, v1;
	v27 =	vsel vm14, $0x1, v1  }
0x85: {  	[tilespmem:s30+$0xFFFFFF80] =	vst v28;
	v28 =	vld [tilespmem:s30+$0x60];
	v57 =	vadd.s32 v23, v22;
	v22 =	vadd.s32 v27, v25;
	v23 =	vsel vm15, $0x1, v1  }
0x86: {  	v25 =	vsel vm5, $0x1, v1;
	v22 =	vadd.s32 v23, v22;
	v23 =	vsel vm4, $0x1, v1  }
0x87: {  	v27 =	vmul.u32 $0xFFF08001, v22;
	v22 =	vadd.s32 v25, v23;
	v23 =	vsel vm6, $0x1, v1  }
0x88: {  	[tilespmem:s30+$0xFFFFFFA0] =	vst v31;
	v25 =	vsel vm8, $0x1, v1;
	v22 =	vadd.s32 v23, v22;
	v23 =	vsel vm7, $0x1, v1  }
0x89: {  	[tilespmem:s30+$0xFFFFFFB0] =	vst v26;
	v58 =	vsel vm9, $0x1, v1;
	v59 =	vshll.u32 v55, $0x2;
	v25 =	vadd.s32 v25, v23;
	v23 =	vld [tilespmem:s30+$0x70]  }
0x8a: {  	[tilespmem:s30+$0xFFFFFFC0] =	vst v44;
	v26 =	vshll.u32 v54, $0x2;
	vm10 =	vgt.s32 v28, $0x3DFFF;
	vm11 =	vgt.s32 v28, $0x7BFFF  }
0x8b: {  	[tilespmem:s30+$0xFFFFFF90] =	vst v29;
	vm12 =	vgt.s32 v28, $0xB9FFF;
	v60 =	vsel vm11, $0x1, v1;
	v29 =	vmul.u32 $0xFFF08001, v22  }
0x8c: {  	[tilespmem:s30+$0xFFFFFFD0] =	vst v45;
	v61 =	vsel vm12, $0x1, v1;
	v26 =	vadd.s32 v26, v27;
	v25 =	vadd.s32 v58, v25  }
0x8d: {  	[tilespmem:s30+$0xFFFFFFE0] =	vst v30;
	v27 =	vadd.s32 v59, v29;
	v29 =	vmul.u32 $0xFFF08001, v25;
	v25 =	vsel vm10, $0x1, v1  }
0x8e: {  	[tilespmem:s30+$0x0] =	vst v24;
	v22 =	vld [tilespmem:s30+$0xFFFFFFF0];
	v24 =	vadd.s32 v60, v25;
	vm13 =	vgt.s32 v23, $0x3DFFF;
	vm14 =	vgt.s32 v23, $0x7BFFF  }
0x8f: {  	[tilespmem:s30+$0x10] =	vst v35;
	vm15 =	vgt.s32 v23, $0xB9FFF;
	v25 =	vsel vm13, $0x1, v1;
	v62 =	vsel vm14, $0x1, v1  }
0x90: {  	[tilespmem:s30+$0x20] =	vst v57;
	v24 =	vadd.s32 v61, v24;
	v63 =	vsel vm15, $0x1, v1;
	v30 =	vadd.s32 v62, v25  }
0x91: {  	[tilespmem:s30+$0x30] =	vst v26;
	v26 =	vshll.u32 v56, $0x2;
	v25 =	vmul.u32 $0xFFF08001, v24;
	v24 =	vadd.s32 v63, v30  }
0x92: {  	s31 =	simm.s32 $0x2;
	s15 =	simm.s32 $0x280;
	[tilespmem:s30+$0x40] =	vst v27;
	v27 =	vshll.u32 v28, $0x2;
	v26 =	vadd.s32 v26, v29;
	v24 =	vmul.u32 $0xFFF08001, v24  }
.LBB2_4:
0x93: {  	v28 =	vld [tilespmem:s15+$0xFFFFFF80];
	vm0 =	vgt.s32 v22, $0x3DFFF;
	[tilespmem:s30+$0x50] =	vst v26;
	v25 =	vadd.s32 v27, v25;
	v23 =	vshll.u32 v23, $0x2  }
0x94: {  	v26 =	vld [tilespmem:s15+$0xFFFFFFF0];
	v27 =	vsel vm0, $0x1, v1;
	vm0 =	vgt.s32 v22, $0x7BFFF;
	[tilespmem:s30+$0x60] =	vst v25;
	v23 =	vadd.s32 v23, v24  }
0x95: {  	v24 =	vld [tilespmem:s15+$0xFFFFFF90];
	v25 =	vsel vm0, $0x1, v1;
	vm0 =	vgt.s32 v22, $0xB9FFF;
	[tilespmem:s30+$0x70] =	vst v23;
	v23 =	vmul.u32 $0xFFF08001, v21  }
0x96: {  	v22 =	vshll.u32 v22, $0x2;
	v21 =	vadd.s32 v25, v27;
	v25 =	vsel vm0, $0x1, v1  }
0x97: {  	v27 =	vld [tilespmem:s15+$0xFFFFFFA0];
	v21 =	vadd.s32 v25, v21;
	v23 =	vadd.s32 v20, v23;
	v20 =	vmov v22  }
0x98: {  	vm0 =	vgt.s32 v28, $0x3DFFF;
	vm1 =	vgt.s32 v28, $0x7BFFF;
	vm2 =	vgt.s32 v28, $0xB9FFF;
	[tilespmem:s1+$0xFFFFFFF0] =	vst v23;
	s1 =	smov.u32 s30;
	s30 =	smov.u32 s15  }
0x99: {  	v23 =	vsel vm0, $0x1, v1;
	v25 =	vsel vm1, $0x1, v1;
	v29 =	vsel vm2, $0x1, v1;
	v22 =	vmovc v26  }
0x9a: {  	v23 =	vadd.s32 v25, v23;
	vm0 =	vgt.s32 v24, $0x3DFFF;
	vm1 =	vgt.s32 v24, $0xB9FFF  }
0x9b: {  	v25 =	vsel vm0, $0x1, v1;
	vm0 =	vgt.s32 v24, $0x7BFFF;
	v26 =	vsel vm1, $0x1, v1  }
0x9c: {  	v30 =	vsel vm0, $0x1, v1;
	vm0 =	vgt.s32 v27, $0x3DFFF;
	vm1 =	vgt.s32 v27, $0x7BFFF  }
0x9d: {  	v31 =	vsel vm0, $0x1, v1;
	v32 =	vsel vm1, $0x1, v1;
	vm0 =	vgt.s32 v27, $0xB9FFF  }
0x9e: {  	v25 =	vadd.s32 v30, v25;
	v30 =	vadd.s32 v32, v31;
	v31 =	vsel vm0, $0x1, v1;
	v32 =	vld [tilespmem:s15+$0xFFFFFFB0]  }
0x9f: {  	v23 =	vadd.s32 v29, v23;
	v25 =	vadd.s32 v26, v25;
	v26 =	vadd.s32 v31, v30  }
0xa0: {  	v23 =	vmul.u32 $0xFFF08001, v23;
	v29 =	vmul.u32 $0xFFF08001, v25;
	v26 =	vmul.u32 $0xFFF08001, v26;
	v30 =	vld [tilespmem:s15+$0xFFFFFFC0]  }
0xa1: {  	v24 =	vshll.u32 v24, $0x2;
	v27 =	vshll.u32 v27, $0x2;
	v25 =	vshll.u32 v28, $0x2  }
0xa2: {  	v25 =	vadd.s32 v25, v23;
	v24 =	vadd.s32 v24, v29;
	v23 =	vadd.s32 v27, v26;
	v26 =	vld [tilespmem:s15+$0xFFFFFFD0]  }
0xa3: {  	vm0 =	vgt.s32 v32, $0x3DFFF;
	vm1 =	vgt.s32 v32, $0x7BFFF;
	vm2 =	vgt.s32 v32, $0xB9FFF  }
0xa4: {  	v27 =	vsel vm0, $0x1, v1;
	v28 =	vsel vm1, $0x1, v1;
	v29 =	vsel vm2, $0x1, v1  }
0xa5: {  	v27 =	vadd.s32 v28, v27;
	vm0 =	vgt.s32 v30, $0x3DFFF;
	vm1 =	vgt.s32 v30, $0xB9FFF  }
0xa6: {  	v28 =	vsel vm0, $0x1, v1;
	vm0 =	vgt.s32 v30, $0x7BFFF;
	v31 =	vsel vm1, $0x1, v1  }
0xa7: {  	v33 =	vsel vm0, $0x1, v1;
	vm0 =	vgt.s32 v26, $0x3DFFF;
	vm1 =	vgt.s32 v26, $0x7BFFF  }
0xa8: {  	v34 =	vsel vm0, $0x1, v1;
	v35 =	vsel vm1, $0x1, v1;
	vm0 =	vgt.s32 v26, $0xB9FFF  }
0xa9: {  	v28 =	vadd.s32 v33, v28;
	v33 =	vadd.s32 v35, v34;
	v34 =	vsel vm0, $0x1, v1;
	v35 =	vld [tilespmem:s15+$0xFFFFFFE0]  }
0xaa: {  	v27 =	vadd.s32 v29, v27;
	v28 =	vadd.s32 v31, v28;
	v29 =	vadd.s32 v34, v33  }
0xab: {  	v27 =	vmul.u32 $0xFFF08001, v27;
	v28 =	vmul.u32 $0xFFF08001, v28;
	v29 =	vmul.u32 $0xFFF08001, v29;
	v31 =	vld [tilespmem:s15+$0x0]  }
0xac: {  	v32 =	vshll.u32 v32, $0x2;
	v30 =	vshll.u32 v30, $0x2;
	v26 =	vshll.u32 v26, $0x2  }
0xad: {  	v27 =	vadd.s32 v32, v27;
	v28 =	vadd.s32 v30, v28;
	v26 =	vadd.s32 v26, v29  }
0xae: {  	vm0 =	vgt.s32 v35, $0x3DFFF;
	vm1 =	vgt.s32 v35, $0x7BFFF;
	vm2 =	vgt.s32 v35, $0xB9FFF  }
0xaf: {  	v29 =	vsel vm0, $0x1, v1;
	v30 =	vsel vm1, $0x1, v1;
	v32 =	vsel vm2, $0x1, v1;
	v33 =	vld [tilespmem:s15+$0x10]  }
0xb0: {  	v29 =	vadd.s32 v30, v29;
	vm0 =	vgt.s32 v31, $0x3DFFF;
	vm1 =	vgt.s32 v31, $0x7BFFF  }
0xb1: {  	v30 =	vsel vm0, $0x1, v1;
	v34 =	vsel vm1, $0x1, v1;
	vm0 =	vgt.s32 v31, $0xB9FFF  }
0xb2: {  	v29 =	vadd.s32 v32, v29;
	v30 =	vadd.s32 v34, v30;
	v32 =	vsel vm0, $0x1, v1  }
0xb3: {  	v34 =	vshll.u32 v35, $0x2;
	v29 =	vmul.u32 $0xFFF08001, v29;
	v30 =	vadd.s32 v32, v30;
	v32 =	vld [tilespmem:s15+$0x20]  }
0xb4: {  	v30 =	vmul.u32 $0xFFF08001, v30;
	vm0 =	vgt.s32 v33, $0x3DFFF;
	vm1 =	vgt.s32 v33, $0x7BFFF  }
0xb5: {  	v35 =	vsel vm0, $0x1, v1;
	v36 =	vsel vm1, $0x1, v1;
	vm0 =	vgt.s32 v33, $0xB9FFF  }
0xb6: {  	v31 =	vshll.u32 v31, $0x2;
	v35 =	vadd.s32 v36, v35;
	v36 =	vsel vm0, $0x1, v1  }
0xb7: {  	v29 =	vadd.s32 v34, v29;
	v30 =	vadd.s32 v31, v30;
	v31 =	vadd.s32 v36, v35;
	v34 =	vld [tilespmem:s15+$0x30]  }
0xb8: {  	v31 =	vmul.u32 $0xFFF08001, v31;
	vm0 =	vgt.s32 v32, $0x3DFFF;
	vm1 =	vgt.s32 v32, $0x7BFFF  }
0xb9: {  	v35 =	vsel vm0, $0x1, v1;
	v36 =	vsel vm1, $0x1, v1;
	vm0 =	vgt.s32 v32, $0xB9FFF  }
0xba: {  	v33 =	vshll.u32 v33, $0x2;
	v35 =	vadd.s32 v36, v35;
	v36 =	vsel vm0, $0x1, v1;
	v37 =	vld [tilespmem:s15+$0x40]  }
0xbb: {  	v32 =	vshll.u32 v32, $0x2;
	v31 =	vadd.s32 v33, v31;
	v33 =	vadd.s32 v36, v35  }
0xbc: {  	v33 =	vmul.u32 $0xFFF08001, v33;
	vm0 =	vgt.s32 v34, $0x3DFFF;
	vm1 =	vgt.s32 v34, $0x7BFFF  }
0xbd: {  	v35 =	vsel vm0, $0x1, v1;
	v36 =	vsel vm1, $0x1, v1;
	vm0 =	vgt.s32 v34, $0xB9FFF;
	v38 =	vld [tilespmem:s15+$0x50]  }
0xbe: {  	v32 =	vadd.s32 v32, v33;
	v33 =	vadd.s32 v36, v35;
	v35 =	vsel vm0, $0x1, v1  }
0xbf: {  	v33 =	vadd.s32 v35, v33;
	vm0 =	vgt.s32 v37, $0x3DFFF;
	vm1 =	vgt.s32 v37, $0x7BFFF  }
0xc0: {  	v35 =	vsel vm0, $0x1, v1;
	v36 =	vsel vm1, $0x1, v1;
	vm0 =	vgt.s32 v37, $0xB9FFF  }
0xc1: {  	v33 =	vmul.u32 $0xFFF08001, v33;
	v35 =	vadd.s32 v36, v35;
	v36 =	vsel vm0, $0x1, v1  }
0xc2: {  	[tilespmem:s15+$0xFFFFFF80] =	vst v25;
	v25 =	vadd.s32 v36, v35;
	vm0 =	vgt.s32 v38, $0x3DFFF;
	vm1 =	vgt.s32 v38, $0x7BFFF;
	v35 =	vld [tilespmem:s15+$0x60]  }
0xc3: {  	[tilespmem:s15+$0xFFFFFF90] =	vst v24;
	v24 =	vsel vm0, $0x1, v1;
	v36 =	vsel vm1, $0x1, v1;
	vm0 =	vgt.s32 v38, $0xB9FFF  }
0xc4: {  	s31 =	sadd.s32 $0x2, s31;
	v25 =	vmul.u32 $0xFFF08001, v25;
	[tilespmem:s15+$0xFFFFFFA0] =	vst v23;
	v24 =	vadd.s32 v36, v24;
	v36 =	vsel vm0, $0x1, v1;
	v23 =	vld [tilespmem:s15+$0x70]  }
0xc5: {  	p0 =	slt.u32 s31, $0xC6;
	[tilespmem:s15+$0xFFFFFFB0] =	vst v27;
	v27 =	vshll.u32 v34, $0x2;
	v34 =	vshll.u32 v37, $0x2;
	v24 =	vadd.s32 v36, v24  }
0xc6: {  	[tilespmem:s15+$0xFFFFFFC0] =	vst v28;
	v27 =	vadd.s32 v27, v33;
	v28 =	vadd.s32 v34, v25;
	v24 =	vmul.u32 $0xFFF08001, v24  }
0xc7: {  	[tilespmem:s15+$0xFFFFFFD0] =	vst v26;
	vm0 =	vgt.s32 v35, $0x3DFFF;
	vm1 =	vgt.s32 v35, $0x7BFFF;
	vm2 =	vgt.s32 v35, $0xB9FFF  }
0xc8: {  	[tilespmem:s15+$0xFFFFFFE0] =	vst v29;
	v25 =	vsel vm0, $0x1, v1;
	v26 =	vsel vm1, $0x1, v1;
	v29 =	vsel vm2, $0x1, v1  }
.Ltmp1:
0xc9: {  	[tilespmem:s15+$0x0] =	vst v30;
	v25 =	vadd.s32 v26, v25;
	vm0 =	vgt.s32 v23, $0x3DFFF;
	vm1 =	vgt.s32 v23, $0x7BFFF;
	(pc) =	sbr.rel @p0 .LBB2_4-.Ltmp1, $4  }
0xca: {  	[tilespmem:s15+$0x10] =	vst v31;
	v26 =	vsel vm0, $0x1, v1;
	v30 =	vsel vm1, $0x1, v1;
	vm0 =	vgt.s32 v23, $0xB9FFF  }
0xcb: {  	v25 =	vadd.s32 v29, v25;
	[tilespmem:s15+$0x20] =	vst v32;
	v26 =	vadd.s32 v30, v26;
	v29 =	vsel vm0, $0x1, v1  }
0xcc: {  	v25 =	vmul.u32 $0xFFF08001, v25;
	[tilespmem:s15+$0x30] =	vst v27;
	v27 =	vshll.u32 v38, $0x2;
	v29 =	vadd.s32 v29, v26  }
0xcd: {  	s15 =	sadd.s32 $0x100, s15;
	[tilespmem:s30+$0x40] =	vst v28;
	v26 =	vadd.s32 v27, v24;
	v27 =	vshll.u32 v35, $0x2;
	v24 =	vmul.u32 $0xFFF08001, v29  }
0xce: {  	vm0 =	vgt.s32 v22, $0x3DFFF;
	vm1 =	vgt.s32 v22, $0x7BFFF  }
0xcf: {  	vm15 =	vgt.s32 v22, $0xB9FFF;
	v28 =	vsel vm0, $0x1, v1;
	v29 =	vsel vm1, $0x1, v1  }
0xd0: {  	v25 =	vadd.s32 v27, v25;
	v60 =	vsel vm15, $0x1, v1;
	v59 =	vadd.s32 v29, v28  }
0xd1: {  	[tilespmem:s30+$0x50] =	vst v26;
	v23 =	vshll.u32 v23, $0x2;
	v21 =	vmul.u32 $0xFFF08001, v21;
	v61 =	vadd.s32 v60, v59  }
0xd2: {  	[tilespmem:s30+$0x60] =	vst v25;
	v23 =	vadd.s32 v23, v24;
	v62 =	vmul.u32 $0xFFF08001, v61  }
0xd3: {  	v63 =	vshll.u32 v22, $0x2;
	[tilespmem:s30+$0x70] =	vst v23;
	v20 =	vadd.s32 v20, v21  }
0xd4: {  	[tilespmem:s1+$0xFFFFFFF0] =	vst v20;
	v20 =	vadd.s32 v63, v62  }
0xd5: {  	s15 =	simm.s32 $0x7E00;
	s31 =	simm.s32 $0x0;
	[tilespmem:s30+$0xFFFFFFF0] =	vst v20;
	s30 =	simm.s32 $0x0  }
0xd6: {  	[tilespmem:s15], [sflag:$0x1] =	stream.indirect.gather [hbm4b:s4+s12], $0x20, s30, s12, $0xb8;
	[tilespmem:$0xC000] =	vst v63  }
.LBB2_6:
0xd7: {  	p0 =	seq.s32 s31, $0x0  }
0xd8: {  	s6 =	simm.s32 @!p0 $0x4  }
0xd9: {  	_ =	swait.ge @!p0 [sflag:s6], $0x400  }
0xda: {  	[sflag:s6] =	ssyncset.done @!p0 $0x0  }
0xdb: {  	[sflag:s6] =	ssyncadd.s32 @!p0 $0xFFFFFC00  }
0xdc: {  	_ =	swait.ge @!p0 [sflag:s6], $0x400  }
0xdd: {  	[sflag:s6] =	ssyncset.done @!p0 $0x0  }
0xde: {  	[sflag:s6] =	ssyncadd.s32 @!p0 $0xFFFFFC00  }
0xdf: {  	_ =	swait.ge @!p0 [sflag:s6], $0x400  }
0xe0: {  	[sflag:s6] =	ssyncset.done @!p0 $0x0  }
0xe1: {  	s1 =	sshllo.u32 s31, $0x1;
	s11 =	sshll.u32 s31, $0x1;
	[sflag:s6] =	ssyncadd.s32 @!p0 $0xFFFFFC00  }
0xe2: {  	s15 =	sshll.u32 s1, $0x7;
	v20 =	vmov s11;
	s11 =	simm.s32 $0x1;
	_ =	swait.ge @!p0 [sflag:s6], $0x400  }
0xe3: {  	s14 =	sand.u32 $0x3FFFFF80, s15;
	v20 =	vand.u32 $0xFE, v20;
	v23 =	vmov s11;
	s11 =	simm.s32 $0x4;
	[sflag:s6] =	ssyncset.done @!p0 $0x0  }
0xe4: {  	v22 =	vmov s30;
	s15 =	simm.s32 $0x8E00;
	v21 =	vadd.s32 v0, v20;
	v26 =	vmov s11;
	s11 =	simm.s32 $0x7;
	[sflag:s6] =	ssyncadd.s32 @!p0 $0xFFFFFC00  }
0xe5: {  	v22 =	vshrl.u32 v22, $0x3;
	v20 =	vadd.s32 v3, v20;
	[tilespmem:s15], [sflag:$0x2] =	stream.indirect.gather [hbm4b:s4+s12], $0x20, s14, s12, $0xb8;
	[tilespmem:$0xC000] =	vst v63  }
0xe6: {  	v22 =	vshll.u32 v22, v4;
	v29 =	vmov s11;
	_ =	swait.ge [sflag:s17], $0x1000  }
0xe7: {  	v23 =	vshrl.u32 v23, $0x3;
	v22 =	vbroadcast v22, $0x0;
	v29 =	vshrl.u32 v29, $0x3;
	[sflag:s17] =	ssyncset.done $0x0  }
0xe8: {  	v26 =	vshrl.u32 v26, $0x3;
	v23 =	vshll.u32 v23, v4;
	v29 =	vshll.u32 v29, v4;
	s15 =	simm.s32 $0x2;
	[sflag:s17] =	ssyncadd.s32 $0xFFFFF000  }
0xe9: {  	v23 =	vbroadcast v23, $0x0;
	v29 =	vbroadcast v29, $0x0;
	v24 =	vmov s15;
	s15 =	simm.s32 $0x5;
	v21 =	vld.idx.msk [tilespmem:v21+s18+$0x0], $0xffff  }
0xea: {  	v26 =	vshll.u32 v26, v4;
	v34 =	vadd.s32 v2, v22;
	s14 =	simm.s32 $0x3;
	v27 =	vmov s15;
	s15 =	simm.s32 $0x7E80;
	v20 =	vld.idx.msk [tilespmem:v20+s18+$0x0], $0xffff  }
0xeb: {  	v26 =	vbroadcast v26, $0x0;
	v33 =	vadd.s32 v18, v29;
	v25 =	vmov s14;
	s14 =	simm.s32 $0x6;
	v30 =	vld [tilespmem:s15+$0x60]  }
0xec: {  	v28 =	vmov s14;
	v24 =	vshrl.u32 v24, $0x3;
	v25 =	vshrl.u32 v25, $0x3;
	v31 =	vld [tilespmem:s15+$0xFFFFFF80]  }
0xed: {  	v28 =	vshrl.u32 v28, $0x3;
	v24 =	vshll.u32 v24, v4;
	v25 =	vshll.u32 v25, v4;
	v32 =	vld [tilespmem:s15+$0xFFFFFFA0]  }
0xee: {  	v35 =	vld [tilespmem:s15+$0xFFFFFFC0];
	v24 =	vbroadcast v24, $0x0;
	v38 =	vbroadcast v25, $0x0;
	v25 =	vshll.u32 v28, v4  }
0xef: {  	v36 =	vadd.s32 v6, v23;
	v61 =	vadd.s32 v7, v23;
	v43 =	vld [tilespmem:s15+$0x40];
	v44 =	vbroadcast v25, $0x0  }
0xf0: {  	v27 =	vshrl.u32 v27, $0x3;
	v37 =	vld [tilespmem:s15+$0xFFFFFFE0];
	v28 =	vadd.s32 v8, v24;
	v30 =	vadd.f32 v30, v21  }
0xf1: {  	v27 =	vshll.u32 v27, v4;
	v39 =	vld [tilespmem:s15+$0x0];
	v56 =	vadd.s32 v16, v44;
	v31 =	vadd.f32 v31, v21  }
0xf2: {  	v41 =	vld [tilespmem:s15+$0x20];
	v42 =	vbroadcast v27, $0x0;
	v40 =	vadd.s32 v10, v38;
	v27 =	vadd.f32 v32, v21;
	[tilespmem:v33+s19+$0x0] =	vst.idx.msk $0xffff, v30  }
0xf3: {  	v54 =	vadd.s32 v12, v26;
	v25 =	vadd.f32 v35, v21;
	[tilespmem:v34+s19+$0x0] =	vst.idx.msk $0xffff, v31  }
0xf4: {  	v23 =	vadd.f32 v43, v21;
	v30 =	vadd.s32 v14, v42;
	[tilespmem:v36+s19+$0x0] =	vst.idx.msk $0xffff, v27;
	v31 =	vld [tilespmem:s15+$0x70]  }
0xf5: {  	v27 =	vadd.f32 v37, v21;
	[tilespmem:v28+s19+$0x0] =	vst.idx.msk $0xffff, v25;
	v55 =	vld [tilespmem:s15+$0xFFFFFF90]  }
0xf6: {  	v29 =	vadd.s32 v19, v29;
	s14 =	simm.s32 $0x8;
	v25 =	vadd.f32 v39, v21;
	v36 =	vld [tilespmem:s15+$0xFFFFFFB0];
	[tilespmem:v56+s19+$0x0] =	vst.idx.msk $0xffff, v23  }
0xf7: {  	v58 =	vadd.s32 v5, v22;
	v57 =	vmov s14;
	v22 =	vadd.f32 v41, v21;
	v59 =	vld [tilespmem:s15+$0xFFFFFFD0];
	[tilespmem:v40+s19+$0x0] =	vst.idx.msk $0xffff, v27  }
0xf8: {  	s11 =	simm.s32 $0x9;
	v62 =	vadd.s32 v9, v24;
	v35 =	vshrl.u32 v57, $0x3;
	[tilespmem:v54+s19+$0x0] =	vst.idx.msk $0xffff, v25;
	v45 =	vld [tilespmem:s15+$0xFFFFFFF0]  }
0xf9: {  	v60 =	vmov s11;
	v35 =	vshll.u32 v35, v4;
	v46 =	vld [tilespmem:s15+$0x10];
	[tilespmem:v30+s19+$0x0] =	vst.idx.msk $0xffff, v22;
	v24 =	vadd.f32 v31, v20  }
0xfa: {  	s14 =	simm.s32 $0xA;
	v23 =	vadd.s32 v13, v26;
	v22 =	vadd.s32 v11, v38;
	v30 =	vadd.f32 v55, v20;
	v32 =	vld [tilespmem:s15+$0x30]  }
0xfb: {  	s11 =	simm.s32 $0xB;
	v26 =	vadd.s32 v15, v42;
	v25 =	vmov s14;
	s14 =	simm.s32 $0xC;
	v34 =	vld [tilespmem:s15+$0x50];
	v31 =	vadd.f32 v36, v20;
	[tilespmem:v29+s19+$0x0] =	vst.idx.msk $0xffff, v24  }
0xfc: {  	v27 =	vmov s11;
	s11 =	simm.s32 $0xD;
	v28 =	vmov s14;
	v63 =	vadd.f32 v59, v20;
	[tilespmem:v58+s19+$0x0] =	vst.idx.msk $0xffff, v30  }
0xfd: {  	s14 =	simm.s32 $0xE;
	v29 =	vmov s11;
	[tilespmem:v61+s19+$0x0] =	vst.idx.msk $0xffff, v31;
	v33 =	vadd.f32 v45, v20;
	v24 =	vadd.s32 v17, v44  }
0xfe: {  	s6 =	simm.s32 $0x10;
	v30 =	vmov s14;
	v31 =	vshrl.u32 v60, $0x3;
	s11 =	simm.s32 $0xF;
	[tilespmem:v62+s19+$0x0] =	vst.idx.msk $0xffff, v63;
	v36 =	vadd.f32 v46, v20  }
.LBB2_7:
0xff: {  	p0 =	slt.u32 s6, $0x78;
	v25 =	vshrl.u32 v25, $0x3;
	v37 =	vmov s11;
	[tilespmem:v22+s19+$0x0] =	vst.idx.msk $0xffff, v33;
	v22 =	vadd.f32 v32, v20  }
0x100: {  	v27 =	vshrl.u32 v27, $0x3;
	v32 =	vshrl.u32 v37, $0x3;
	[tilespmem:v23+s19+$0x0] =	vst.idx.msk $0xffff, v36;
	v23 =	vadd.f32 v34, v20  }
0x101: {  	v28 =	vshrl.u32 v28, $0x3;
	v29 =	vshrl.u32 v29, $0x3;
	s15 =	sadd.s32 $0x100, s15;
	v32 =	vshll.u32 v32, v4;
	[tilespmem:v26+s19+$0x0] =	vst.idx.msk $0xffff, v22  }
0x102: {  	v22 =	vbroadcast v35, $0x0;
	v26 =	vshrl.u32 v30, $0x3;
	v30 =	vld [tilespmem:s15+$0x60];
	v32 =	vbroadcast v32, $0x0;
	[tilespmem:v24+s19+$0x0] =	vst.idx.msk $0xffff, v23  }
0x103: {  	v25 =	vshll.u32 v25, v4;
	v27 =	vshll.u32 v27, v4;
	v24 =	vshll.u32 v31, v4;
	v23 =	vld [tilespmem:s15+$0xFFFFFF80]  }
0x104: {  	v28 =	vshll.u32 v28, v4;
	v24 =	vbroadcast v24, $0x0;
	v31 =	vld [tilespmem:s15+$0xFFFFFFA0];
	v33 =	vadd.s32 v18, v32  }
0x105: {  	v36 =	vbroadcast v25, $0x0;
	v25 =	vshll.u32 v29, v4;
	v34 =	vadd.s32 v2, v22;
	v35 =	vld [tilespmem:s15+$0xFFFFFFC0]  }
0x106: {  	v38 =	vbroadcast v27, $0x0;
	v26 =	vshll.u32 v26, v4;
	v29 =	vadd.s32 v6, v24;
	v37 =	vld [tilespmem:s15+$0xFFFFFFE0]  }
0x107: {  	v40 =	vbroadcast v28, $0x0;
	v27 =	vadd.s32 v8, v36;
	v39 =	vld [tilespmem:s15+$0x0];
	v28 =	vadd.f32 v30, v21  }
0x108: {  	v42 =	vbroadcast v25, $0x0;
	v30 =	vadd.s32 v10, v38;
	v23 =	vadd.f32 v23, v21;
	v41 =	vld [tilespmem:s15+$0x20]  }
0x109: {  	v44 =	vbroadcast v26, $0x0;
	v25 =	vadd.f32 v31, v21;
	v31 =	vadd.s32 v12, v40;
	v43 =	vld [tilespmem:s15+$0x40];
	[tilespmem:v33+s19+$0x0] =	vst.idx.msk $0xffff, v28  }
0x10a: {  	v26 =	vadd.s32 v14, v42;
	[tilespmem:v34+s19+$0x0] =	vst.idx.msk $0xffff, v23;
	v23 =	vadd.f32 v35, v21;
	v28 =	vld [tilespmem:s15+$0x70]  }
0x10b: {  	v33 =	vld [tilespmem:s15+$0xFFFFFF90];
	[tilespmem:v29+s19+$0x0] =	vst.idx.msk $0xffff, v25;
	v25 =	vadd.f32 v37, v21;
	v29 =	vadd.s32 v16, v44  }
0x10c: {  	v34 =	vmov s6;
	v37 =	vadd.s32 v19, v32;
	v35 =	vld [tilespmem:s15+$0xFFFFFFB0];
	[tilespmem:v27+s19+$0x0] =	vst.idx.msk $0xffff, v23;
	v23 =	vadd.f32 v39, v21  }
0x10d: {  	s11 =	sadd.s32 $0x1, s6;
	v45 =	vadd.s32 v5, v22;
	v39 =	vshrl.u32 v34, $0x3;
	v46 =	vld [tilespmem:s15+$0xFFFFFFD0];
	[tilespmem:v30+s19+$0x0] =	vst.idx.msk $0xffff, v25;
	v22 =	vadd.f32 v41, v21  }
0x10e: {  	v24 =	vadd.s32 v7, v24;
	v41 =	vmov s11;
	s11 =	sadd.s32 $0x2, s6;
	v47 =	vld [tilespmem:s15+$0xFFFFFFF0];
	[tilespmem:v31+s19+$0x0] =	vst.idx.msk $0xffff, v23;
	v23 =	vadd.f32 v43, v21  }
0x10f: {  	v36 =	vadd.s32 v9, v36;
	v25 =	vmov s11;
	s11 =	sadd.s32 $0x3, s6;
	v43 =	vld [tilespmem:s15+$0x10];
	[tilespmem:v26+s19+$0x0] =	vst.idx.msk $0xffff, v22;
	v26 =	vadd.f32 v28, v20  }
.Ltmp2:
0x110: {  	v27 =	vmov s11;
	s11 =	sadd.s32 $0x4, s6;
	v22 =	vadd.s32 v11, v38;
	v30 =	vadd.f32 v33, v20;
	v32 =	vld [tilespmem:s15+$0x30];
	[tilespmem:v29+s19+$0x0] =	vst.idx.msk $0xffff, v23;
	(pc) =	sbr.rel @p0 .LBB2_7-.Ltmp2, $4  }
0x111: {  	v28 =	vmov s11;
	s11 =	sadd.s32 $0x5, s6;
	v23 =	vadd.s32 v13, v40;
	v31 =	vadd.f32 v35, v20;
	v34 =	vld [tilespmem:s15+$0x50];
	[tilespmem:v37+s19+$0x0] =	vst.idx.msk $0xffff, v26  }
0x112: {  	v29 =	vmov s11;
	s11 =	sadd.s32 $0x6, s6;
	v26 =	vadd.s32 v15, v42;
	[tilespmem:v45+s19+$0x0] =	vst.idx.msk $0xffff, v30;
	v37 =	vadd.f32 v46, v20  }
0x113: {  	v30 =	vmov s11;
	[tilespmem:v24+s19+$0x0] =	vst.idx.msk $0xffff, v31;
	v33 =	vadd.f32 v47, v20;
	v24 =	vadd.s32 v17, v44  }
0x114: {  	v35 =	vshll.u32 v39, v4;
	s11 =	sadd.s32 $0x7, s6;
	s6 =	sadd.s32 $0x8, s6;
	v31 =	vshrl.u32 v41, $0x3;
	[tilespmem:v36+s19+$0x0] =	vst.idx.msk $0xffff, v37;
	v36 =	vadd.f32 v43, v20  }
0x115: {  	v25 =	vshrl.u32 v25, $0x3;
	v37 =	vmov s11;
	v32 =	vadd.f32 v32, v20  }
0x116: {  	v27 =	vshrl.u32 v27, $0x3;
	v28 =	vshrl.u32 v28, $0x3;
	v29 =	vshrl.u32 v29, $0x3  }
0x117: {  	s6 =	sadd.s32 $0x100, s15;
	v35 =	vbroadcast v35, $0x0;
	v30 =	vshrl.u32 v30, $0x3;
	v31 =	vshll.u32 v31, v4  }
0x118: {  	v37 =	vshrl.u32 v37, $0x3;
	v34 =	vadd.f32 v34, v20;
	v39 =	vld [tilespmem:s6+$0xFFFFFF80];
	v25 =	vshll.u32 v25, v4  }
0x119: {  	v27 =	vshll.u32 v27, v4;
	v40 =	vld [tilespmem:s6+$0xFFFFFFA0];
	v31 =	vbroadcast v31, $0x0;
	v37 =	vshll.u32 v37, v4  }
0x11a: {  	[tilespmem:v22+s19+$0x0] =	vst.idx.msk $0xffff, v33;
	v38 =	vld [tilespmem:s6+$0x60];
	v28 =	vshll.u32 v28, v4;
	v22 =	vadd.s32 v2, v35;
	v37 =	vbroadcast v37, $0x0  }
0x11b: {  	v29 =	vshll.u32 v29, v4;
	[tilespmem:v23+s19+$0x0] =	vst.idx.msk $0xffff, v36;
	v48 =	vld [tilespmem:s6+$0xFFFFFFE0];
	v27 =	vbroadcast v27, $0x0;
	v23 =	vadd.s32 v6, v31  }
0x11c: {  	v47 =	vld [tilespmem:s6+$0xFFFFFFC0];
	v30 =	vshll.u32 v30, v4;
	v25 =	vbroadcast v25, $0x0;
	v41 =	vadd.s32 v18, v37  }
0x11d: {  	v51 =	vld [tilespmem:s6+$0x20];
	v29 =	vbroadcast v29, $0x0;
	[tilespmem:v24+s19+$0x0] =	vst.idx.msk $0xffff, v34;
	v50 =	vadd.s32 v10, v27;
	v24 =	vadd.f32 v39, v21  }
0x11e: {  	v49 =	vld [tilespmem:s6+$0x0];
	[tilespmem:v26+s19+$0x0] =	vst.idx.msk $0xffff, v32;
	v28 =	vbroadcast v28, $0x0;
	v26 =	vadd.s32 v8, v25;
	v40 =	vadd.f32 v40, v21  }
0x11f: {  	v43 =	vld [tilespmem:s6+$0x40];
	v30 =	vbroadcast v30, $0x0;
	v38 =	vadd.f32 v38, v21;
	[tilespmem:v22+s19+$0x0] =	vst.idx.msk $0xffff, v24;
	v24 =	vadd.s32 v14, v29  }
0x120: {  	v42 =	vadd.s32 v12, v28;
	[tilespmem:v23+s19+$0x0] =	vst.idx.msk $0xffff, v40;
	v23 =	vadd.f32 v48, v21;
	v53 =	vld [tilespmem:s6+$0xFFFFFF90]  }
0x121: {  	v54 =	vadd.s32 v16, v30;
	v22 =	vadd.f32 v47, v21;
	v40 =	vld [tilespmem:s6+$0xFFFFFFB0];
	[tilespmem:v41+s19+$0x0] =	vst.idx.msk $0xffff, v38  }
0x122: {  	v55 =	vadd.s32 v5, v35;
	[tilespmem:v50+s19+$0x0] =	vst.idx.msk $0xffff, v23;
	v23 =	vadd.f32 v51, v21;
	v52 =	vld [tilespmem:s6+$0x70]  }
0x123: {  	v31 =	vadd.s32 v7, v31;
	[tilespmem:v26+s19+$0x0] =	vst.idx.msk $0xffff, v22;
	v22 =	vadd.f32 v49, v21;
	v34 =	vld [tilespmem:s6+$0xFFFFFFF0]  }
0x124: {  	v26 =	vadd.s32 v19, v37;
	v21 =	vadd.f32 v43, v21;
	v56 =	vld [tilespmem:s6+$0xFFFFFFD0];
	[tilespmem:v24+s19+$0x0] =	vst.idx.msk $0xffff, v23  }
0x125: {  	v27 =	vadd.s32 v11, v27;
	[tilespmem:v42+s19+$0x0] =	vst.idx.msk $0xffff, v22;
	v24 =	vadd.f32 v53, v20;
	v57 =	vld [tilespmem:s6+$0x30]  }
0x126: {  	v22 =	vadd.s32 v9, v25;
	[tilespmem:v54+s19+$0x0] =	vst.idx.msk $0xffff, v21;
	v25 =	vld [tilespmem:s6+$0x10];
	v21 =	vadd.f32 v40, v20  }
0x127: {  	v36 =	vld [tilespmem:s6+$0x50];
	v23 =	vadd.f32 v52, v20;
	[tilespmem:v55+s19+$0x0] =	vst.idx.msk $0xffff, v24;
	v24 =	vadd.s32 v15, v29  }
0x128: {  	v28 =	vadd.s32 v13, v28;
	[tilespmem:v31+s19+$0x0] =	vst.idx.msk $0xffff, v21;
	v21 =	vadd.f32 v34, v20  }
0x129: {  	[tilespmem:v26+s19+$0x0] =	vst.idx.msk $0xffff, v23;
	v23 =	vadd.f32 v56, v20;
	v26 =	vadd.s32 v17, v30  }
0x12a: {  	[tilespmem:v27+s19+$0x0] =	vst.idx.msk $0xffff, v21;
	v21 =	vadd.f32 v57, v20  }
0x12b: {  	s14 =	sshll.u32 s31, $0x12;
	[tilespmem:v22+s19+$0x0] =	vst.idx.msk $0xffff, v23;
	v22 =	vadd.f32 v25, v20  }
0x12c: {  	s6 =	sor.u32 s7, s14;
	v20 =	vadd.f32 v36, v20;
	[tilespmem:v24+s19+$0x0] =	vst.idx.msk $0xffff, v21  }
0x12d: {  	s6 =	sshrl.u32 s6, $0x3;
	[tilespmem:v28+s19+$0x0] =	vst.idx.msk $0xffff, v22  }
0x12e: {  	s11 =	sadd.s32 s2, s6;
	[tilespmem:v26+s19+$0x0] =	vst.idx.msk $0xffff, v20  }
0x12f: {  	[hbm4b:s11+s3] =	stream.linear.scatter [tilespmem:s19], [sflag:$0x3], $0x80, $0x38;
	[tilespmem:$0xC000] =	vst v63  }
0x130: {  	s14 =	simm.s32 $0x9E88;
	s15 =	sadd.s32 $0x10, s11  }
0x131: {  	[hbm4b:s15+s3] =	stream.linear.scatter [tilespmem:s14], [sflag:$0x3], $0x80, $0x38;
	[tilespmem:$0xC000] =	vst v63  }
0x132: {  	s15 =	sadd.s32 $0x20, s11;
	s14 =	simm.s32 $0x9F10  }
0x133: {  	[hbm4b:s15+s3] =	stream.linear.scatter [tilespmem:s14], [sflag:$0x3], $0x80, $0x38;
	[tilespmem:$0xC000] =	vst v63  }
0x134: {  	s15 =	sadd.s32 $0x30, s11;
	s14 =	simm.s32 $0x9F98  }
0x135: {  	[hbm4b:s15+s3] =	stream.linear.scatter [tilespmem:s14], [sflag:$0x3], $0x80, $0x38;
	[tilespmem:$0xC000] =	vst v63  }
0x136: {  	s15 =	sadd.s32 $0x40, s11;
	s14 =	simm.s32 $0xA020  }
0x137: {  	[hbm4b:s15+s3] =	stream.linear.scatter [tilespmem:s14], [sflag:$0x3], $0x80, $0x38;
	[tilespmem:$0xC000] =	vst v63  }
0x138: {  	s15 =	sadd.s32 $0x50, s11;
	s14 =	simm.s32 $0xA0A8  }
0x139: {  	[hbm4b:s15+s3] =	stream.linear.scatter [tilespmem:s14], [sflag:$0x3], $0x80, $0x38;
	[tilespmem:$0xC000] =	vst v63  }
0x13a: {  	s15 =	sadd.s32 $0x60, s11;
	s14 =	simm.s32 $0xA130  }
0x13b: {  	[hbm4b:s15+s3] =	stream.linear.scatter [tilespmem:s14], [sflag:$0x3], $0x80, $0x38;
	[tilespmem:$0xC000] =	vst v63  }
0x13c: {  	s11 =	sadd.s32 $0x70, s11;
	s15 =	simm.s32 $0xA1B8  }
0x13d: {  	[hbm4b:s11+s3] =	stream.linear.scatter [tilespmem:s15], [sflag:$0x3], $0x80, $0x38;
	[tilespmem:$0xC000] =	vst v63  }
0x13e: {  	s11 =	sadd.s32 s6, s8;
	s15 =	simm.s32 $0xA240  }
0x13f: {  	[hbm4b:s11+s3] =	stream.linear.scatter [tilespmem:s15], [sflag:$0x3], $0x80, $0x38;
	[tilespmem:$0xC000] =	vst v63  }
0x140: {  	s14 =	simm.s32 $0xA2C8;
	s15 =	sadd.s32 $0x10, s11  }
0x141: {  	[hbm4b:s15+s3] =	stream.linear.scatter [tilespmem:s14], [sflag:$0x3], $0x80, $0x38;
	[tilespmem:$0xC000] =	vst v63  }
0x142: {  	s15 =	sadd.s32 $0x20, s11;
	s14 =	simm.s32 $0xA350  }
0x143: {  	[hbm4b:s15+s3] =	stream.linear.scatter [tilespmem:s14], [sflag:$0x3], $0x80, $0x38;
	[tilespmem:$0xC000] =	vst v63  }
0x144: {  	s15 =	sadd.s32 $0x30, s11;
	s14 =	simm.s32 $0xA3D8  }
0x145: {  	[hbm4b:s15+s3] =	stream.linear.scatter [tilespmem:s14], [sflag:$0x3], $0x80, $0x38;
	[tilespmem:$0xC000] =	vst v63  }
0x146: {  	s15 =	sadd.s32 $0x40, s11;
	s14 =	simm.s32 $0xA460  }
0x147: {  	[hbm4b:s15+s3] =	stream.linear.scatter [tilespmem:s14], [sflag:$0x3], $0x80, $0x38;
	[tilespmem:$0xC000] =	vst v63  }
0x148: {  	s15 =	sadd.s32 $0x50, s11;
	s14 =	simm.s32 $0xA4E8  }
0x149: {  	[hbm4b:s15+s3] =	stream.linear.scatter [tilespmem:s14], [sflag:$0x3], $0x80, $0x38;
	[tilespmem:$0xC000] =	vst v63  }
0x14a: {  	s15 =	sadd.s32 $0x60, s11;
	s14 =	simm.s32 $0xA570  }
0x14b: {  	[hbm4b:s15+s3] =	stream.linear.scatter [tilespmem:s14], [sflag:$0x3], $0x80, $0x38;
	[tilespmem:$0xC000] =	vst v63  }
0x14c: {  	s11 =	sadd.s32 $0x70, s11;
	s15 =	simm.s32 $0xA5F8  }
0x14d: {  	[hbm4b:s11+s3] =	stream.linear.scatter [tilespmem:s15], [sflag:$0x3], $0x80, $0x38;
	[tilespmem:$0xC000] =	vst v63  }
0x14e: {  	s11 =	sadd.s32 s6, s9;
	s15 =	simm.s32 $0xA680  }
0x14f: {  	[hbm4b:s11+s3] =	stream.linear.scatter [tilespmem:s15], [sflag:$0x3], $0x80, $0x38;
	[tilespmem:$0xC000] =	vst v63  }
0x150: {  	s14 =	simm.s32 $0xA708;
	s15 =	sadd.s32 $0x10, s11  }
0x151: {  	[hbm4b:s15+s3] =	stream.linear.scatter [tilespmem:s14], [sflag:$0x3], $0x80, $0x38;
	[tilespmem:$0xC000] =	vst v63  }
0x152: {  	s15 =	sadd.s32 $0x20, s11;
	s14 =	simm.s32 $0xA790  }
0x153: {  	[hbm4b:s15+s3] =	stream.linear.scatter [tilespmem:s14], [sflag:$0x3], $0x80, $0x38;
	[tilespmem:$0xC000] =	vst v63  }
0x154: {  	s15 =	sadd.s32 $0x30, s11;
	s14 =	simm.s32 $0xA818  }
0x155: {  	[hbm4b:s15+s3] =	stream.linear.scatter [tilespmem:s14], [sflag:$0x3], $0x80, $0x38;
	[tilespmem:$0xC000] =	vst v63  }
0x156: {  	s15 =	sadd.s32 $0x40, s11;
	s14 =	simm.s32 $0xA8A0  }
0x157: {  	[hbm4b:s15+s3] =	stream.linear.scatter [tilespmem:s14], [sflag:$0x3], $0x80, $0x38;
	[tilespmem:$0xC000] =	vst v63  }
0x158: {  	s15 =	sadd.s32 $0x50, s11;
	s14 =	simm.s32 $0xA928  }
0x159: {  	[hbm4b:s15+s3] =	stream.linear.scatter [tilespmem:s14], [sflag:$0x3], $0x80, $0x38;
	[tilespmem:$0xC000] =	vst v63  }
0x15a: {  	s15 =	sadd.s32 $0x60, s11;
	s14 =	simm.s32 $0xA9B0  }
0x15b: {  	[hbm4b:s15+s3] =	stream.linear.scatter [tilespmem:s14], [sflag:$0x3], $0x80, $0x38;
	[tilespmem:$0xC000] =	vst v63  }
0x15c: {  	s11 =	sadd.s32 $0x70, s11;
	s15 =	simm.s32 $0xAA38  }
0x15d: {  	[hbm4b:s11+s3] =	stream.linear.scatter [tilespmem:s15], [sflag:$0x3], $0x80, $0x38;
	[tilespmem:$0xC000] =	vst v63  }
0x15e: {  	s6 =	sadd.s32 s6, s10;
	s15 =	simm.s32 $0xAAC0  }
0x15f: {  	[hbm4b:s6+s3] =	stream.linear.scatter [tilespmem:s15], [sflag:$0x3], $0x80, $0x38;
	[tilespmem:$0xC000] =	vst v63  }
0x160: {  	s14 =	sadd.s32 $0x10, s6;
	s15 =	simm.s32 $0xAB48  }
0x161: {  	[hbm4b:s14+s3] =	stream.linear.scatter [tilespmem:s15], [sflag:$0x3], $0x80, $0x38;
	[tilespmem:$0xC000] =	vst v63  }
0x162: {  	s14 =	sadd.s32 $0x20, s6;
	s15 =	simm.s32 $0xABD0  }
0x163: {  	[hbm4b:s14+s3] =	stream.linear.scatter [tilespmem:s15], [sflag:$0x3], $0x80, $0x38;
	[tilespmem:$0xC000] =	vst v63  }
0x164: {  	s14 =	sadd.s32 $0x30, s6;
	s15 =	simm.s32 $0xAC58  }
0x165: {  	[hbm4b:s14+s3] =	stream.linear.scatter [tilespmem:s15], [sflag:$0x3], $0x80, $0x38;
	[tilespmem:$0xC000] =	vst v63  }
0x166: {  	s14 =	sadd.s32 $0x40, s6;
	s15 =	simm.s32 $0xACE0  }
0x167: {  	[hbm4b:s14+s3] =	stream.linear.scatter [tilespmem:s15], [sflag:$0x3], $0x80, $0x38;
	[tilespmem:$0xC000] =	vst v63  }
0x168: {  	s14 =	sadd.s32 $0x50, s6;
	s15 =	simm.s32 $0xAD68  }
0x169: {  	[hbm4b:s14+s3] =	stream.linear.scatter [tilespmem:s15], [sflag:$0x3], $0x80, $0x38;
	[tilespmem:$0xC000] =	vst v63  }
0x16a: {  	s14 =	sadd.s32 $0x60, s6;
	s15 =	simm.s32 $0xADF0  }
0x16b: {  	[hbm4b:s14+s3] =	stream.linear.scatter [tilespmem:s15], [sflag:$0x3], $0x80, $0x38;
	[tilespmem:$0xC000] =	vst v63  }
0x16c: {  	p0 =	seq.s32 s31, $0x63;
	s6 =	sadd.s32 $0x70, s6;
	s14 =	simm.s32 $0xAE78  }
0x16d: {  	[hbm4b:s6+s3] =	stream.linear.scatter [tilespmem:s14], [sflag:$0x3], $0x80, $0x38;
	[tilespmem:$0xC000] =	vst v63  }
0x16e: {  	s6 =	simm.s32 @!p0 $0x3  }
0x16f: {  	_ =	swait.ge @!p0 [sflag:s6], $0x400  }
0x170: {  	[sflag:s6] =	ssyncset.done @!p0 $0x0  }
0x171: {  	[sflag:s6] =	ssyncadd.s32 @!p0 $0xFFFFFC00  }
0x172: {  	_ =	swait.ge @!p0 [sflag:s6], $0x400  }
0x173: {  	[sflag:s6] =	ssyncset.done @!p0 $0x0  }
0x174: {  	[sflag:s6] =	ssyncadd.s32 @!p0 $0xFFFFFC00  }
0x175: {  	_ =	swait.ge @!p0 [sflag:s6], $0x400  }
0x176: {  	[sflag:s6] =	ssyncset.done @!p0 $0x0  }
0x177: {  	[sflag:s6] =	ssyncadd.s32 @!p0 $0xFFFFFC00  }
0x178: {  	_ =	swait.ge @!p0 [sflag:s6], $0x400  }
0x179: {  	v20 =	vmov s1;
	s11 =	sshll.u32 @!p0 s31, $0x8;
	s14 =	simm.s32 $0x3;
	[sflag:s6] =	ssyncset.done @!p0 $0x0  }
0x17a: {  	v20 =	vand.u32 $0xFF, v20;
	v25 =	vmov s14;
	s14 =	simm.s32 $0x6;
	[sflag:s6] =	ssyncadd.s32 @!p0 $0xFFFFFC00;
	s6 =	sand.u32 @!p0 $0x3FFFFF00, s11  }
0x17b: {  	v21 =	vadd.s32 v0, v20;
	s15 =	simm.s32 @!p0 $0x7E00;
	v28 =	vmov s14;
	v25 =	vshrl.u32 v25, $0x3;
	s11 =	simm.s32 @!p0 $0x80;
	s6 =	sadd.s32 @!p0 $0x100, s6  }
0x17c: {  	v20 =	vadd.s32 v3, v20;
	v28 =	vshrl.u32 v28, $0x3;
	v25 =	vshll.u32 v25, v4;
	[tilespmem:s15], [sflag:$0x1] =	stream.indirect.gather @!p0 [hbm4b:s4+s11], $0x20, s6, s11, $0xb8;
	[tilespmem:$0xC000] =	vst v63  }
0x17d: {  	v48 =	vbroadcast v25, $0x0;
	v25 =	vshll.u32 v28, v4;
	s15 =	simm.s32 $0x0;
	_ =	swait.ge [sflag:s0], $0x1000  }
0x17e: {  	v44 =	vbroadcast v25, $0x0;
	s11 =	simm.s32 $0x1;
	v22 =	vmov s15;
	s15 =	simm.s32 $0x2;
	[sflag:s0] =	ssyncset.done $0x0  }
0x17f: {  	v50 =	vadd.s32 v10, v48;
	v23 =	vmov s11;
	s11 =	simm.s32 $0x4;
	v24 =	vmov s15;
	s15 =	simm.s32 $0x5;
	[sflag:s0] =	ssyncadd.s32 $0xFFFFF000  }
0x180: {  	v22 =	vshrl.u32 v22, $0x3;
	v26 =	vmov s11;
	s11 =	simm.s32 $0x7;
	v27 =	vmov s15;
	v21 =	vld.idx.msk [tilespmem:v21+s18+$0x0], $0xffff  }
0x181: {  	v22 =	vshll.u32 v22, v4;
	v29 =	vmov s11;
	v24 =	vshrl.u32 v24, $0x3;
	s15 =	simm.s32 $0x8E80;
	v20 =	vld.idx.msk [tilespmem:v20+s18+$0x0], $0xffff  }
0x182: {  	v29 =	vshrl.u32 v29, $0x3;
	v22 =	vbroadcast v22, $0x0;
	v31 =	vld [tilespmem:s15+$0xFFFFFF80];
	v24 =	vshll.u32 v24, v4  }
0x183: {  	v23 =	vshrl.u32 v23, $0x3;
	v61 =	vld [tilespmem:s15+$0xFFFFFFC0];
	v29 =	vshll.u32 v29, v4;
	v24 =	vbroadcast v24, $0x0  }
0x184: {  	v23 =	vshll.u32 v23, v4;
	v30 =	vld [tilespmem:s15+$0x60];
	v29 =	vbroadcast v29, $0x0;
	v60 =	vadd.s32 v2, v22  }
0x185: {  	v26 =	vshrl.u32 v26, $0x3;
	v58 =	vld [tilespmem:s15+$0xFFFFFFA0];
	v23 =	vbroadcast v23, $0x0;
	v28 =	vadd.s32 v8, v24  }
0x186: {  	v27 =	vshrl.u32 v27, $0x3;
	v26 =	vshll.u32 v26, v4;
	v54 =	vld [tilespmem:s15+$0x40];
	v59 =	vadd.s32 v18, v29  }
0x187: {  	v63 =	vld [tilespmem:s15+$0xFFFFFFE0];
	v26 =	vbroadcast v26, $0x0;
	v62 =	vadd.s32 v6, v23;
	v31 =	vadd.f32 v31, v21  }
0x188: {  	v56 =	vadd.s32 v16, v44;
	v49 =	vld [tilespmem:s15+$0x0];
	v27 =	vshll.u32 v27, v4;
	v25 =	vadd.f32 v61, v21  }
0x189: {  	v51 =	vld [tilespmem:s15+$0x20];
	v52 =	vbroadcast v27, $0x0;
	v53 =	vadd.s32 v12, v26;
	v30 =	vadd.f32 v30, v21;
	[tilespmem:v60+s13+$0x0] =	vst.idx.msk $0xffff, v31  }
0x18a: {  	v27 =	vadd.f32 v58, v21;
	v61 =	vadd.s32 v7, v23;
	[tilespmem:v28+s13+$0x0] =	vst.idx.msk $0xffff, v25  }
0x18b: {  	v23 =	vadd.f32 v54, v21;
	v55 =	vld [tilespmem:s15+$0xFFFFFF90];
	[tilespmem:v59+s13+$0x0] =	vst.idx.msk $0xffff, v30;
	v30 =	vadd.s32 v14, v52  }
0x18c: {  	[tilespmem:v62+s13+$0x0] =	vst.idx.msk $0xffff, v27;
	v27 =	vadd.f32 v63, v21;
	v59 =	vld [tilespmem:s15+$0xFFFFFFD0]  }
0x18d: {  	s14 =	simm.s32 $0x8;
	v58 =	vadd.s32 v5, v22;
	[tilespmem:v56+s13+$0x0] =	vst.idx.msk $0xffff, v23;
	v25 =	vadd.f32 v49, v21;
	v31 =	vld [tilespmem:s15+$0x70]  }
0x18e: {  	v57 =	vmov s14;
	v22 =	vadd.f32 v51, v21;
	v62 =	vadd.s32 v9, v24;
	v36 =	vld [tilespmem:s15+$0xFFFFFFB0];
	[tilespmem:v50+s13+$0x0] =	vst.idx.msk $0xffff, v27  }
0x18f: {  	v35 =	vshrl.u32 v57, $0x3;
	s11 =	simm.s32 $0x9;
	v29 =	vadd.s32 v19, v29;
	v45 =	vld [tilespmem:s15+$0xFFFFFFF0];
	[tilespmem:v53+s13+$0x0] =	vst.idx.msk $0xffff, v25  }
0x190: {  	v35 =	vshll.u32 v35, v4;
	v60 =	vmov s11;
	v46 =	vld [tilespmem:s15+$0x10];
	[tilespmem:v30+s13+$0x0] =	vst.idx.msk $0xffff, v22;
	v30 =	vadd.f32 v55, v20  }
0x191: {  	s14 =	simm.s32 $0xA;
	v23 =	vadd.s32 v13, v26;
	v22 =	vadd.s32 v11, v48;
	v63 =	vadd.f32 v59, v20;
	v32 =	vld [tilespmem:s15+$0x30]  }
0x192: {  	s11 =	simm.s32 $0xB;
	v26 =	vadd.s32 v15, v52;
	v34 =	vld [tilespmem:s15+$0x50];
	v25 =	vmov s14;
	s14 =	simm.s32 $0xC;
	v24 =	vadd.f32 v31, v20;
	[tilespmem:v58+s13+$0x0] =	vst.idx.msk $0xffff, v30  }
0x193: {  	v27 =	vmov s11;
	v28 =	vmov s14;
	s14 =	simm.s32 $0xE;
	v31 =	vadd.f32 v36, v20;
	[tilespmem:v62+s13+$0x0] =	vst.idx.msk $0xffff, v63  }
0x194: {  	s11 =	simm.s32 $0xD;
	v33 =	vadd.f32 v45, v20;
	v30 =	vmov s14;
	[tilespmem:v29+s13+$0x0] =	vst.idx.msk $0xffff, v24;
	v24 =	vadd.s32 v17, v44  }
0x195: {  	s6 =	simm.s32 $0x10;
	v36 =	vadd.f32 v46, v20;
	v29 =	vmov s11;
	[tilespmem:v61+s13+$0x0] =	vst.idx.msk $0xffff, v31;
	v31 =	vshrl.u32 v60, $0x3;
	s11 =	simm.s32 $0xF  }
.LBB2_9:
0x196: {  	p0 =	slt.u32 s6, $0x78;
	v25 =	vshrl.u32 v25, $0x3;
	v37 =	vmov s11;
	[tilespmem:v22+s13+$0x0] =	vst.idx.msk $0xffff, v33;
	v22 =	vadd.f32 v32, v20  }
0x197: {  	v27 =	vshrl.u32 v27, $0x3;
	v32 =	vshrl.u32 v37, $0x3;
	[tilespmem:v23+s13+$0x0] =	vst.idx.msk $0xffff, v36;
	v23 =	vadd.f32 v34, v20  }
0x198: {  	v28 =	vshrl.u32 v28, $0x3;
	v29 =	vshrl.u32 v29, $0x3;
	s15 =	sadd.s32 $0x100, s15;
	v32 =	vshll.u32 v32, v4;
	[tilespmem:v26+s13+$0x0] =	vst.idx.msk $0xffff, v22  }
0x199: {  	v22 =	vbroadcast v35, $0x0;
	v26 =	vshrl.u32 v30, $0x3;
	v30 =	vld [tilespmem:s15+$0x60];
	v32 =	vbroadcast v32, $0x0;
	[tilespmem:v24+s13+$0x0] =	vst.idx.msk $0xffff, v23  }
0x19a: {  	v25 =	vshll.u32 v25, v4;
	v27 =	vshll.u32 v27, v4;
	v24 =	vshll.u32 v31, v4;
	v23 =	vld [tilespmem:s15+$0xFFFFFF80]  }
0x19b: {  	v28 =	vshll.u32 v28, v4;
	v24 =	vbroadcast v24, $0x0;
	v31 =	vld [tilespmem:s15+$0xFFFFFFA0];
	v33 =	vadd.s32 v18, v32  }
0x19c: {  	v36 =	vbroadcast v25, $0x0;
	v25 =	vshll.u32 v29, v4;
	v34 =	vadd.s32 v2, v22;
	v35 =	vld [tilespmem:s15+$0xFFFFFFC0]  }
0x19d: {  	v38 =	vbroadcast v27, $0x0;
	v26 =	vshll.u32 v26, v4;
	v29 =	vadd.s32 v6, v24;
	v37 =	vld [tilespmem:s15+$0xFFFFFFE0]  }
0x19e: {  	v40 =	vbroadcast v28, $0x0;
	v27 =	vadd.s32 v8, v36;
	v39 =	vld [tilespmem:s15+$0x0];
	v28 =	vadd.f32 v30, v21  }
0x19f: {  	v42 =	vbroadcast v25, $0x0;
	v30 =	vadd.s32 v10, v38;
	v23 =	vadd.f32 v23, v21;
	v41 =	vld [tilespmem:s15+$0x20]  }
0x1a0: {  	v44 =	vbroadcast v26, $0x0;
	v25 =	vadd.f32 v31, v21;
	v31 =	vadd.s32 v12, v40;
	v43 =	vld [tilespmem:s15+$0x40];
	[tilespmem:v33+s13+$0x0] =	vst.idx.msk $0xffff, v28  }
0x1a1: {  	v26 =	vadd.s32 v14, v42;
	[tilespmem:v34+s13+$0x0] =	vst.idx.msk $0xffff, v23;
	v23 =	vadd.f32 v35, v21;
	v28 =	vld [tilespmem:s15+$0x70]  }
0x1a2: {  	v33 =	vld [tilespmem:s15+$0xFFFFFF90];
	[tilespmem:v29+s13+$0x0] =	vst.idx.msk $0xffff, v25;
	v25 =	vadd.f32 v37, v21;
	v29 =	vadd.s32 v16, v44  }
0x1a3: {  	v34 =	vmov s6;
	v37 =	vadd.s32 v19, v32;
	v35 =	vld [tilespmem:s15+$0xFFFFFFB0];
	[tilespmem:v27+s13+$0x0] =	vst.idx.msk $0xffff, v23;
	v23 =	vadd.f32 v39, v21  }
0x1a4: {  	s11 =	sadd.s32 $0x1, s6;
	v45 =	vadd.s32 v5, v22;
	v39 =	vshrl.u32 v34, $0x3;
	v46 =	vld [tilespmem:s15+$0xFFFFFFD0];
	[tilespmem:v30+s13+$0x0] =	vst.idx.msk $0xffff, v25;
	v22 =	vadd.f32 v41, v21  }
0x1a5: {  	v24 =	vadd.s32 v7, v24;
	v41 =	vmov s11;
	s11 =	sadd.s32 $0x2, s6;
	v47 =	vld [tilespmem:s15+$0xFFFFFFF0];
	[tilespmem:v31+s13+$0x0] =	vst.idx.msk $0xffff, v23;
	v23 =	vadd.f32 v43, v21  }
0x1a6: {  	v36 =	vadd.s32 v9, v36;
	v25 =	vmov s11;
	s11 =	sadd.s32 $0x3, s6;
	v43 =	vld [tilespmem:s15+$0x10];
	[tilespmem:v26+s13+$0x0] =	vst.idx.msk $0xffff, v22;
	v26 =	vadd.f32 v28, v20  }
.Ltmp3:
0x1a7: {  	v27 =	vmov s11;
	s11 =	sadd.s32 $0x4, s6;
	v22 =	vadd.s32 v11, v38;
	v30 =	vadd.f32 v33, v20;
	v32 =	vld [tilespmem:s15+$0x30];
	[tilespmem:v29+s13+$0x0] =	vst.idx.msk $0xffff, v23;
	(pc) =	sbr.rel @p0 .LBB2_9-.Ltmp3, $4  }
0x1a8: {  	v28 =	vmov s11;
	s11 =	sadd.s32 $0x5, s6;
	v23 =	vadd.s32 v13, v40;
	v31 =	vadd.f32 v35, v20;
	v34 =	vld [tilespmem:s15+$0x50];
	[tilespmem:v37+s13+$0x0] =	vst.idx.msk $0xffff, v26  }
0x1a9: {  	v29 =	vmov s11;
	s11 =	sadd.s32 $0x6, s6;
	v26 =	vadd.s32 v15, v42;
	[tilespmem:v45+s13+$0x0] =	vst.idx.msk $0xffff, v30;
	v37 =	vadd.f32 v46, v20  }
0x1aa: {  	v30 =	vmov s11;
	[tilespmem:v24+s13+$0x0] =	vst.idx.msk $0xffff, v31;
	v33 =	vadd.f32 v47, v20;
	v24 =	vadd.s32 v17, v44  }
0x1ab: {  	v35 =	vshll.u32 v39, v4;
	s11 =	sadd.s32 $0x7, s6;
	s6 =	sadd.s32 $0x8, s6;
	v31 =	vshrl.u32 v41, $0x3;
	[tilespmem:v36+s13+$0x0] =	vst.idx.msk $0xffff, v37;
	v36 =	vadd.f32 v43, v20  }
0x1ac: {  	v25 =	vshrl.u32 v25, $0x3;
	v37 =	vmov s11;
	v32 =	vadd.f32 v32, v20  }
0x1ad: {  	v27 =	vshrl.u32 v27, $0x3;
	v28 =	vshrl.u32 v28, $0x3;
	v29 =	vshrl.u32 v29, $0x3  }
0x1ae: {  	s6 =	sadd.s32 $0x100, s15;
	v35 =	vbroadcast v35, $0x0;
	v30 =	vshrl.u32 v30, $0x3;
	v31 =	vshll.u32 v31, v4  }
0x1af: {  	v37 =	vshrl.u32 v37, $0x3;
	v34 =	vadd.f32 v34, v20;
	v39 =	vld [tilespmem:s6+$0xFFFFFF80];
	v25 =	vshll.u32 v25, v4  }
0x1b0: {  	v27 =	vshll.u32 v27, v4;
	v40 =	vld [tilespmem:s6+$0xFFFFFFA0];
	v31 =	vbroadcast v31, $0x0;
	v28 =	vshll.u32 v28, v4  }
0x1b1: {  	v52 =	vld [tilespmem:s6+$0xFFFFFFC0];
	v29 =	vshll.u32 v29, v4;
	v51 =	vadd.s32 v2, v35;
	v25 =	vbroadcast v25, $0x0  }
0x1b2: {  	[tilespmem:v22+s13+$0x0] =	vst.idx.msk $0xffff, v33;
	v54 =	vld [tilespmem:s6+$0xFFFFFFE0];
	v30 =	vshll.u32 v30, v4;
	v27 =	vbroadcast v27, $0x0;
	v53 =	vadd.s32 v6, v31  }
0x1b3: {  	[tilespmem:v23+s13+$0x0] =	vst.idx.msk $0xffff, v36;
	v59 =	vld [tilespmem:s6+$0x20];
	v37 =	vshll.u32 v37, v4;
	v29 =	vbroadcast v29, $0x0;
	v55 =	vadd.s32 v8, v25  }
0x1b4: {  	v38 =	vld [tilespmem:s6+$0x60];
	[tilespmem:v26+s13+$0x0] =	vst.idx.msk $0xffff, v32;
	v37 =	vbroadcast v37, $0x0;
	v58 =	vadd.s32 v10, v27;
	v57 =	vadd.f32 v39, v21  }
0x1b5: {  	v56 =	vld [tilespmem:s6+$0x0];
	v28 =	vbroadcast v28, $0x0;
	[tilespmem:v24+s13+$0x0] =	vst.idx.msk $0xffff, v34;
	v61 =	vadd.s32 v14, v29;
	v40 =	vadd.f32 v40, v21  }
0x1b6: {  	v43 =	vld [tilespmem:s6+$0x40];
	v30 =	vbroadcast v30, $0x0;
	v41 =	vadd.s32 v18, v37;
	v60 =	vadd.f32 v52, v21;
	[tilespmem:v51+s13+$0x0] =	vst.idx.msk $0xffff, v57  }
0x1b7: {  	v42 =	vadd.s32 v12, v28;
	v44 =	vadd.f32 v54, v21;
	[tilespmem:v53+s13+$0x0] =	vst.idx.msk $0xffff, v40;
	v63 =	vld [tilespmem:s6+$0xFFFFFF90]  }
0x1b8: {  	v45 =	vadd.s32 v16, v30;
	v50 =	vadd.f32 v59, v21;
	v40 =	vld [tilespmem:s6+$0xFFFFFFB0];
	[tilespmem:v55+s13+$0x0] =	vst.idx.msk $0xffff, v60  }
0x1b9: {  	v48 =	vadd.s32 v5, v35;
	v38 =	vadd.f32 v38, v21;
	[tilespmem:v58+s13+$0x0] =	vst.idx.msk $0xffff, v44;
	v49 =	vld [tilespmem:s6+$0xFFFFFFD0]  }
0x1ba: {  	v31 =	vadd.s32 v7, v31;
	v46 =	vadd.f32 v56, v21;
	[tilespmem:v61+s13+$0x0] =	vst.idx.msk $0xffff, v50;
	v34 =	vld [tilespmem:s6+$0xFFFFFFF0]  }
0x1bb: {  	v52 =	vadd.s32 v9, v25;
	v51 =	vadd.f32 v43, v21;
	[tilespmem:v41+s13+$0x0] =	vst.idx.msk $0xffff, v38;
	v56 =	vld [tilespmem:s6+$0x30]  }
0x1bc: {  	v27 =	vadd.s32 v11, v27;
	[tilespmem:v42+s13+$0x0] =	vst.idx.msk $0xffff, v46;
	v62 =	vld [tilespmem:s6+$0x70];
	v55 =	vadd.f32 v63, v20  }
0x1bd: {  	v59 =	vadd.s32 v15, v29;
	v53 =	vld [tilespmem:s6+$0x10];
	[tilespmem:v45+s13+$0x0] =	vst.idx.msk $0xffff, v51;
	v57 =	vadd.f32 v40, v20  }
0x1be: {  	v47 =	vadd.s32 v19, v37;
	v36 =	vld [tilespmem:s6+$0x50];
	v58 =	vadd.f32 v49, v20;
	[tilespmem:v48+s13+$0x0] =	vst.idx.msk $0xffff, v55  }
0x1bf: {  	v28 =	vadd.s32 v13, v28;
	v60 =	vadd.f32 v34, v20;
	[tilespmem:v31+s13+$0x0] =	vst.idx.msk $0xffff, v57  }
0x1c0: {  	v61 =	vadd.s32 v17, v30;
	v63 =	vadd.f32 v56, v20;
	[tilespmem:v52+s13+$0x0] =	vst.idx.msk $0xffff, v58  }
0x1c1: {  	v54 =	vadd.f32 v62, v20;
	[tilespmem:v27+s13+$0x0] =	vst.idx.msk $0xffff, v60  }
0x1c2: {  	s1 =	sshll.u32 s1, $0x11;
	v62 =	vadd.f32 v53, v20;
	[tilespmem:v59+s13+$0x0] =	vst.idx.msk $0xffff, v63  }
0x1c3: {  	s1 =	sor.u32 s7, s1;
	v20 =	vadd.f32 v36, v20;
	[tilespmem:v47+s13+$0x0] =	vst.idx.msk $0xffff, v54  }
0x1c4: {  	s1 =	sshrl.u32 s1, $0x3;
	[tilespmem:v28+s13+$0x0] =	vst.idx.msk $0xffff, v62  }
0x1c5: {  	s6 =	sadd.s32 s2, s1;
	[tilespmem:v61+s13+$0x0] =	vst.idx.msk $0xffff, v20  }
0x1c6: {  	[hbm4b:s6+s3] =	stream.linear.scatter [tilespmem:s13], [sflag:$0x4], $0x80, $0x38;
	[tilespmem:$0xC000] =	vst v63  }
0x1c7: {  	s14 =	simm.s32 $0xAF88;
	s15 =	sadd.s32 $0x10, s6  }
0x1c8: {  	[hbm4b:s15+s3] =	stream.linear.scatter [tilespmem:s14], [sflag:$0x4], $0x80, $0x38;
	[tilespmem:$0xC000] =	vst v63  }
0x1c9: {  	s14 =	sadd.s32 $0x20, s6;
	s15 =	simm.s32 $0xB010  }
0x1ca: {  	[hbm4b:s14+s3] =	stream.linear.scatter [tilespmem:s15], [sflag:$0x4], $0x80, $0x38;
	[tilespmem:$0xC000] =	vst v63  }
0x1cb: {  	s14 =	sadd.s32 $0x30, s6;
	s15 =	simm.s32 $0xB098  }
0x1cc: {  	[hbm4b:s14+s3] =	stream.linear.scatter [tilespmem:s15], [sflag:$0x4], $0x80, $0x38;
	[tilespmem:$0xC000] =	vst v63  }
0x1cd: {  	s14 =	sadd.s32 $0x40, s6;
	s15 =	simm.s32 $0xB120  }
0x1ce: {  	[hbm4b:s14+s3] =	stream.linear.scatter [tilespmem:s15], [sflag:$0x4], $0x80, $0x38;
	[tilespmem:$0xC000] =	vst v63  }
0x1cf: {  	s14 =	sadd.s32 $0x50, s6;
	s15 =	simm.s32 $0xB1A8  }
0x1d0: {  	[hbm4b:s14+s3] =	stream.linear.scatter [tilespmem:s15], [sflag:$0x4], $0x80, $0x38;
	[tilespmem:$0xC000] =	vst v63  }
0x1d1: {  	s14 =	sadd.s32 $0x60, s6;
	s15 =	simm.s32 $0xB230  }
0x1d2: {  	[hbm4b:s14+s3] =	stream.linear.scatter [tilespmem:s15], [sflag:$0x4], $0x80, $0x38;
	[tilespmem:$0xC000] =	vst v63  }
0x1d3: {  	s6 =	sadd.s32 $0x70, s6;
	s14 =	simm.s32 $0xB2B8  }
0x1d4: {  	[hbm4b:s6+s3] =	stream.linear.scatter [tilespmem:s14], [sflag:$0x4], $0x80, $0x38;
	[tilespmem:$0xC000] =	vst v63  }
0x1d5: {  	s15 =	simm.s32 $0xB340;
	s6 =	sadd.s32 s1, s8  }
0x1d6: {  	[hbm4b:s6+s3] =	stream.linear.scatter [tilespmem:s15], [sflag:$0x4], $0x80, $0x38;
	[tilespmem:$0xC000] =	vst v63  }
0x1d7: {  	s14 =	sadd.s32 $0x10, s6;
	s15 =	simm.s32 $0xB3C8  }
0x1d8: {  	[hbm4b:s14+s3] =	stream.linear.scatter [tilespmem:s15], [sflag:$0x4], $0x80, $0x38;
	[tilespmem:$0xC000] =	vst v63  }
0x1d9: {  	s14 =	sadd.s32 $0x20, s6;
	s15 =	simm.s32 $0xB450  }
0x1da: {  	[hbm4b:s14+s3] =	stream.linear.scatter [tilespmem:s15], [sflag:$0x4], $0x80, $0x38;
	[tilespmem:$0xC000] =	vst v63  }
0x1db: {  	s14 =	sadd.s32 $0x30, s6;
	s15 =	simm.s32 $0xB4D8  }
0x1dc: {  	[hbm4b:s14+s3] =	stream.linear.scatter [tilespmem:s15], [sflag:$0x4], $0x80, $0x38;
	[tilespmem:$0xC000] =	vst v63  }
0x1dd: {  	s14 =	sadd.s32 $0x40, s6;
	s15 =	simm.s32 $0xB560  }
0x1de: {  	[hbm4b:s14+s3] =	stream.linear.scatter [tilespmem:s15], [sflag:$0x4], $0x80, $0x38;
	[tilespmem:$0xC000] =	vst v63  }
0x1df: {  	s14 =	sadd.s32 $0x50, s6;
	s15 =	simm.s32 $0xB5E8  }
0x1e0: {  	[hbm4b:s14+s3] =	stream.linear.scatter [tilespmem:s15], [sflag:$0x4], $0x80, $0x38;
	[tilespmem:$0xC000] =	vst v63  }
0x1e1: {  	s14 =	sadd.s32 $0x60, s6;
	s15 =	simm.s32 $0xB670  }
0x1e2: {  	[hbm4b:s14+s3] =	stream.linear.scatter [tilespmem:s15], [sflag:$0x4], $0x80, $0x38;
	[tilespmem:$0xC000] =	vst v63  }
0x1e3: {  	s6 =	sadd.s32 $0x70, s6;
	s14 =	simm.s32 $0xB6F8  }
0x1e4: {  	[hbm4b:s6+s3] =	stream.linear.scatter [tilespmem:s14], [sflag:$0x4], $0x80, $0x38;
	[tilespmem:$0xC000] =	vst v63  }
0x1e5: {  	s15 =	simm.s32 $0xB780;
	s6 =	sadd.s32 s1, s9  }
0x1e6: {  	[hbm4b:s6+s3] =	stream.linear.scatter [tilespmem:s15], [sflag:$0x4], $0x80, $0x38;
	[tilespmem:$0xC000] =	vst v63  }
0x1e7: {  	s14 =	sadd.s32 $0x10, s6;
	s15 =	simm.s32 $0xB808  }
0x1e8: {  	[hbm4b:s14+s3] =	stream.linear.scatter [tilespmem:s15], [sflag:$0x4], $0x80, $0x38;
	[tilespmem:$0xC000] =	vst v63  }
0x1e9: {  	s14 =	sadd.s32 $0x20, s6;
	s15 =	simm.s32 $0xB890  }
0x1ea: {  	[hbm4b:s14+s3] =	stream.linear.scatter [tilespmem:s15], [sflag:$0x4], $0x80, $0x38;
	[tilespmem:$0xC000] =	vst v63  }
0x1eb: {  	s14 =	sadd.s32 $0x30, s6;
	s15 =	simm.s32 $0xB918  }
0x1ec: {  	[hbm4b:s14+s3] =	stream.linear.scatter [tilespmem:s15], [sflag:$0x4], $0x80, $0x38;
	[tilespmem:$0xC000] =	vst v63  }
0x1ed: {  	s14 =	sadd.s32 $0x40, s6;
	s15 =	simm.s32 $0xB9A0  }
0x1ee: {  	[hbm4b:s14+s3] =	stream.linear.scatter [tilespmem:s15], [sflag:$0x4], $0x80, $0x38;
	[tilespmem:$0xC000] =	vst v63  }
0x1ef: {  	s14 =	sadd.s32 $0x50, s6;
	s15 =	simm.s32 $0xBA28  }
0x1f0: {  	[hbm4b:s14+s3] =	stream.linear.scatter [tilespmem:s15], [sflag:$0x4], $0x80, $0x38;
	[tilespmem:$0xC000] =	vst v63  }
0x1f1: {  	s15 =	sadd.s32 $0x60, s6  }
0x1f2: {  	[hbm4b:s15+s3] =	stream.linear.scatter [tilespmem:s16], [sflag:$0x4], $0x80, $0x38;
	[tilespmem:$0xC000] =	vst v63  }
0x1f3: {  	s6 =	sadd.s32 $0x70, s6  }
0x1f4: {  	[hbm4b:s6+s3] =	stream.linear.scatter [tilespmem:s20], [sflag:$0x4], $0x80, $0x38;
	[tilespmem:$0xC000] =	vst v63  }
0x1f5: {  	s1 =	sadd.s32 s1, s10  }
0x1f6: {  	[hbm4b:s1+s3] =	stream.linear.scatter [tilespmem:s21], [sflag:$0x4], $0x80, $0x38;
	[tilespmem:$0xC000] =	vst v63  }
0x1f7: {  	s11 =	sadd.s32 $0x10, s1  }
0x1f8: {  	[hbm4b:s11+s3] =	stream.linear.scatter [tilespmem:s22], [sflag:$0x4], $0x80, $0x38;
	[tilespmem:$0xC000] =	vst v63  }
0x1f9: {  	s14 =	sadd.s32 $0x20, s1  }
0x1fa: {  	[hbm4b:s14+s3] =	stream.linear.scatter [tilespmem:s23], [sflag:$0x4], $0x80, $0x38;
	[tilespmem:$0xC000] =	vst v63  }
0x1fb: {  	s15 =	sadd.s32 $0x30, s1  }
0x1fc: {  	[hbm4b:s15+s3] =	stream.linear.scatter [tilespmem:s24], [sflag:$0x4], $0x80, $0x38;
	[tilespmem:$0xC000] =	vst v63  }
0x1fd: {  	s31 =	sadd.s32 $0x1, s31;
	s11 =	sadd.s32 $0x40, s1  }
0x1fe: {  	[hbm4b:s11+s3] =	stream.linear.scatter [tilespmem:s25], [sflag:$0x4], $0x80, $0x38;
	[tilespmem:$0xC000] =	vst v63  }
0x1ff: {  	p0 =	sne.s32 s31, $0x64;
	s14 =	sadd.s32 $0x50, s1  }
0x200: {  	[hbm4b:s14+s3] =	stream.linear.scatter [tilespmem:s26], [sflag:$0x4], $0x80, $0x38;
	[tilespmem:$0xC000] =	vst v63  }
.Ltmp4:
0x201: {  	_ = 	snop;
	(pc) =	sbr.rel @p0 .LBB2_6-.Ltmp4, $4  }
0x202: {  	s15 =	sadd.s32 $0x60, s1  }
0x203: {  	[hbm4b:s15+s3] =	stream.linear.scatter [tilespmem:s28], [sflag:$0x4], $0x80, $0x38;
	[tilespmem:$0xC000] =	vst v63  }
0x204: {  	s1 =	sadd.s32 $0x70, s1  }
0x205: {  	[hbm4b:s1+s3] =	stream.linear.scatter [tilespmem:s29], [sflag:$0x4], $0x80, $0x38;
	[tilespmem:$0xC000] =	vst v63  }
0x206: {  	s1 =	simm.s32 $0x3  }
0x207: {  	_ =	swait.ge [sflag:s1], $0x400  }
0x208: {  	[sflag:s1] =	ssyncset.done $0x0  }
0x209: {  	[sflag:s1] =	ssyncadd.s32 $0xFFFFFC00  }
0x20a: {  	_ =	swait.ge [sflag:s1], $0x400  }
0x20b: {  	[sflag:s1] =	ssyncset.done $0x0  }
0x20c: {  	[sflag:s1] =	ssyncadd.s32 $0xFFFFFC00  }
0x20d: {  	_ =	swait.ge [sflag:s1], $0x400  }
0x20e: {  	[sflag:s1] =	ssyncset.done $0x0  }
0x20f: {  	[sflag:s1] =	ssyncadd.s32 $0xFFFFFC00  }
0x210: {  	_ =	swait.ge [sflag:s1], $0x400  }
0x211: {  	[sflag:s1] =	ssyncset.done $0x0  }
0x212: {  	s6 =	simm.s32 $0x4;
	[sflag:s1] =	ssyncadd.s32 $0xFFFFFC00  }
0x213: {  	_ =	swait.ge [sflag:s6], $0x400  }
0x214: {  	[sflag:s6] =	ssyncset.done $0x0  }
0x215: {  	[sflag:s6] =	ssyncadd.s32 $0xFFFFFC00  }
0x216: {  	_ =	swait.ge [sflag:s6], $0x400  }
0x217: {  	[sflag:s6] =	ssyncset.done $0x0  }
0x218: {  	[sflag:s6] =	ssyncadd.s32 $0xFFFFFC00  }
0x219: {  	_ =	swait.ge [sflag:s6], $0x400  }
0x21a: {  	[sflag:s6] =	ssyncset.done $0x0  }
0x21b: {  	[sflag:s6] =	ssyncadd.s32 $0xFFFFFC00  }
0x21c: {  	_ =	swait.ge [sflag:s6], $0x400  }
0x21d: {  	s11 =	rddreg [dreg:$0x5]  }
0x21e: {  	s31 =	rddreg [dreg:$0x4];
	s11 =	sadd.s32 $0x1, s11  }
0x21f: {  	p0 =	sne.s32 s11, s31  }
.Ltmp5:
0x220: {  	_ = 	snop;
	(pc) =	sbr.rel @p0 .LBB2_1-.Ltmp5, $3  }
0x221: {  	_ =	sdelay $0x1  }
0x222: {  	[sflag:s6] =	ssyncset.done $0x0  }
0x223: {  	s30 =	simm.s32 $0x5;
	[sflag:s6] =	ssyncadd.s32 $0xFFFFFC00  }
0x224: {  	_ =	sfence.sel $0x180000  }
0x225: {  	[bflag:$0x0] =	sbarrier.arrive $0xFFFF  }
0x226: {  	_ =	strace $0x90000047  }
0x227: {  	s0 =	stileid.u32;
	[bflag:$0x2] =	sbarrier.arrive $0xFFFF  }
0x228: {  	p0 =	sne.s32 s0, $0x0;
	s0 =	rddreg [dreg:$0x2]  }
0x229: {  	s0 =	sadd.s32 @!p0 $0x100000, s0  }
0x22a: {  	[sflag:s0] =	ssyncadd.tile.s32 @!p0 $0x1;
	_ =	shalt  }
.Lfunc_end2:
_tile_overlayer_lowered:
.L_overlay_start_2:
0x22b: {  	(tag) =	ssettag $0x2  }
0x22c: {  	s0 =	rddreg [dreg:$0x0];
	s2 =	stileid.u32  }
0x22d: {  	s1 =	rddreg [dreg:$0x1];
	p0 =	sne.s32 s2, $0x0  }
0x22e: {  	s3 =	rddreg [dreg:$0x2];
	[bflag:$0x3] =	sbarrier.arrive $0xFFFF;
	s2 =	simm.s32 @!p0 $0x1C05  }
0x22f: {  	[timem:s3], [sflag:s2] =	dma.local @!p0 [hbm:s0], s1  }
0x230: {  	s0 =	simm.s32 @!p0 $0x5  }
0x231: {  	_ =	swait.ge @!p0 [sflag:s0], s1  }
0x232: {  	s1 =	ssub.s32 @!p0 $0x0, s1;
	[sflag:s0] =	ssyncset.done @!p0 $0x0  }
0x233: {  	[sflag:s0] =	ssyncadd.s32 @!p0 s1  }
0x234: {  	[bflag:$0x3] =	sbarrier.arrive $0xFFFF  }
0x235: {  	_ =	shalt  }

</sc_bundles>
